<compile_context>
chip_gen: v7x
topology: tpu7x:2x2x1
jax: 0.10.2.dev20260603
libtpu: 0.0.44.dev20260713+nightly
codegen_flags: <defaults>
</compile_context>

<pallas_src>
import functools

import jax
import jax.numpy as jnp
from jax import lax
from jax.experimental import pallas as pl
from jax.experimental.pallas import tpu as pltpu
from jax.experimental.pallas import tpu_sc as plsc

_B = 16384
_D = 32
_LANES = 16

_NC = 2
_NS = 16
_NW = _NC * _NS
_BPW = _B // _NW


def _sc_body(uidx_hbm, iidx_hbm, utab_hbm, itab_hbm, out_hbm,
             uidx_v, iidx_v, urows_v, irows_v, out_v, sem):
    wid = lax.axis_index("s") * _NC + lax.axis_index("c")
    base = wid * _BPW

    pltpu.sync_copy(uidx_hbm.at[pl.ds(base, _BPW)], uidx_v)
    pltpu.sync_copy(iidx_hbm.at[pl.ds(base, _BPW)], iidx_v)
    cu = pltpu.async_copy(utab_hbm.at[uidx_v], urows_v, sem)
    ci = pltpu.async_copy(itab_hbm.at[iidx_v], irows_v, sem)
    cu.wait()
    ci.wait()

    lane_iota = lax.iota(jnp.int32, _LANES)

    def group(g, carry):
        gbase = g * _LANES
        acc = jnp.zeros((_LANES,), jnp.float32)
        for j in range(_LANES):
            r = gbase + j
            u0 = urows_v[r, pl.ds(0, _LANES)]
            u1 = urows_v[r, pl.ds(_LANES, _LANES)]
            i0 = irows_v[r, pl.ds(0, _LANES)]
            i1 = irows_v[r, pl.ds(_LANES, _LANES)]
            s = jnp.sum(u0 * i0 + u1 * i1)
            acc = jnp.where(lane_iota == j, s, acc)
        out_v[pl.ds(gbase, _LANES)] = 1.0 / (1.0 + jnp.exp(-acc))
        return carry

    lax.fori_loop(0, _BPW // _LANES, group, 0)

    pltpu.sync_copy(out_v, out_hbm.at[pl.ds(base, _BPW)])


@jax.jit
def _mf_forward(user_indices, item_indices, user_table, item_table):
    mesh = plsc.VectorSubcoreMesh(core_axis_name="c", subcore_axis_name="s")
    run = functools.partial(
        pl.kernel,
        mesh=mesh,
        compiler_params=pltpu.CompilerParams(
            needs_layout_passes=False, use_tc_tiling_on_sc=False
        ),
        out_type=jax.ShapeDtypeStruct((_B,), jnp.float32),
        scratch_types=[
            pltpu.VMEM((_BPW,), jnp.int32),
            pltpu.VMEM((_BPW,), jnp.int32),
            pltpu.VMEM((_BPW, _D), jnp.float32),
            pltpu.VMEM((_BPW, _D), jnp.float32),
            pltpu.VMEM((_BPW,), jnp.float32),
            pltpu.SemaphoreType.DMA,
        ],
    )(_sc_body)
    return run(user_indices, item_indices, user_table, item_table)


def kernel(user_indices, item_indices, user_table, item_table):
    return _mf_forward(
        user_indices.astype(jnp.int32),
        item_indices.astype(jnp.int32),
        user_table,
        item_table,
    )

# --- scband reference (transcript-rebuilt; emitter-appended) ---
"""Pipeline reference for scband-matrix-factorization-3496103379263 (READ-ONLY COPY).

The authoritative reference and input builder live on the scoring server;
editing this copy changes nothing except your own understanding.
"""

import jax, jax.numpy as jnp
import numpy as np

NUM_USERS = 1000000
NUM_ITEMS = 1000000
EMBED_DIM = 32
BATCH = 16384

def setup_inputs(seed: int = 0) -> dict:
    key = jax.random.key(seed)
    k1, k2, k3, k4 = jax.random.split(key, 4)
    user_indices = jax.random.randint(k1, (BATCH,), 0, NUM_USERS, dtype=jnp.int64 if jax.config.jax_enable_x64 else jnp.int32)
    item_indices = jax.random.randint(k2, (BATCH,), 0, NUM_ITEMS, dtype=jnp.int64 if jax.config.jax_enable_x64 else jnp.int32)
    # xavier_normal_ for Embedding weight [num, dim]: std = sqrt(2/(num+dim))
    user_std = float(np.sqrt(2.0 / (NUM_USERS + EMBED_DIM)))
    item_std = float(np.sqrt(2.0 / (NUM_ITEMS + EMBED_DIM)))
    user_table = jax.random.normal(k3, (NUM_USERS, EMBED_DIM), dtype=jnp.float32) * user_std
    item_table = jax.random.normal(k4, (NUM_ITEMS, EMBED_DIM), dtype=jnp.float32) * item_std
    return {"user_indices": user_indices, "item_indices": item_indices, "user_table": user_table, "item_table": item_table}

def reference(user_indices, item_indices, user_table, item_table):
    user_embedding = jnp.take(user_table, user_indices, axis=0)
    item_embedding = jnp.take(item_table, item_indices, axis=0)
    return jax.nn.sigmoid(jnp.sum(user_embedding * item_embedding, axis=1))

if __name__ == "__main__":
    import jax
    _d = setup_inputs()
    print(jax.jit(kernel)(*tuple(_d.values())))

</pallas_src>

<mosaic_0001>
#map = affine_map<(d0, d1) -> (0)>
#map1 = affine_map<(d0, d1) -> (0, 0)>
module attributes {stable_mosaic.version = 14 : i64} {
  func.func @_sc_body(%arg0: i32, %arg1: i32, %arg2: memref<16384xi32, #tpu.memory_space<hbm>>, %arg3: memref<16384xi32, #tpu.memory_space<hbm>>, %arg4: memref<1000000x32xf32, #tpu.memory_space<hbm>>, %arg5: memref<1000000x32xf32, #tpu.memory_space<hbm>>, %arg6: memref<16384xf32, #tpu.memory_space<hbm>>, %arg7: memref<512xi32, #tpu.memory_space<vmem>>, %arg8: memref<512xi32, #tpu.memory_space<vmem>>, %arg9: memref<512x32xf32, #tpu.memory_space<vmem>>, %arg10: memref<512x32xf32, #tpu.memory_space<vmem>>, %arg11: memref<512xf32, #tpu.memory_space<vmem>>, %arg12: memref<!tpu.dma_semaphore, #tpu.memory_space<semaphore_mem>>) attributes {dimension_semantics = [#tpu.dimension_semantics<core_parallel>, #tpu.dimension_semantics<subcore_parallel>], iteration_bounds = array<i64: 2, 16>, scalar_prefetch = 0 : i64, scratch_operands = 6 : i64, tpu.core_type = #tpu.core_type<sc_vector_subcore>, window_params = [{transform_indices = #map}, {transform_indices = #map}, {transform_indices = #map1}, {transform_indices = #map1}, {transform_indices = #map}]} {
    %mul3A = arith.constant 2 : i32
    %mul3A_0 = arith.muli %arg1, %mul3A : i32
    %add3A = arith.addi %mul3A_0, %arg0 : i32
    %mul3A_1 = arith.constant 512 : i32
    %mul3A_2 = arith.muli %add3A, %mul3A_1 : i32
    "tpu.region"() ({
      %run_scoped3A = tpu.sem_alloc : memref<!tpu.dma_semaphore, #tpu.memory_space<semaphore_mem>>
      %dma_start3A_18 = tpu.memref_slice %arg2[%mul3A_2] : memref<16384xi32, #tpu.memory_space<hbm>> -> memref<512xi32, #tpu.memory_space<hbm>>
      %dma_start3A_19 = tpu.memref_slice %arg2[%mul3A_2] : memref<16384xi32, #tpu.memory_space<hbm>> -> memref<512xi32, #tpu.memory_space<hbm>>
      tpu.enqueue_dma source(%dma_start3A_19 : memref<512xi32, #tpu.memory_space<hbm>>) target(%arg7 : memref<512xi32, #tpu.memory_space<vmem>>) target_semaphore(%run_scoped3A : memref<!tpu.dma_semaphore, #tpu.memory_space<semaphore_mem>>)
      %dma_wait3A_20 = tpu.memref_slice %arg2[%mul3A_2] : memref<16384xi32, #tpu.memory_space<hbm>> -> memref<512xi32, #tpu.memory_space<hbm>>
      %dma_wait3A_21 = tpu.memref_slice %arg2[%mul3A_2] : memref<16384xi32, #tpu.memory_space<hbm>> -> memref<512xi32, #tpu.memory_space<hbm>>
      tpu.wait_dma2 semaphore(%run_scoped3A : memref<!tpu.dma_semaphore, #tpu.memory_space<semaphore_mem>>) src(%dma_wait3A_21 : memref<512xi32, #tpu.memory_space<hbm>>) dst(%arg7 : memref<512xi32, #tpu.memory_space<vmem>>)
      tpu.yield
    }) : () -> ()
    "tpu.region"() ({
      %run_scoped3A = tpu.sem_alloc : memref<!tpu.dma_semaphore, #tpu.memory_space<semaphore_mem>>
      %dma_start3A_18 = tpu.memref_slice %arg3[%mul3A_2] : memref<16384xi32, #tpu.memory_space<hbm>> -> memref<512xi32, #tpu.memory_space<hbm>>
      %dma_start3A_19 = tpu.memref_slice %arg3[%mul3A_2] : memref<16384xi32, #tpu.memory_space<hbm>> -> memref<512xi32, #tpu.memory_space<hbm>>
      tpu.enqueue_dma source(%dma_start3A_19 : memref<512xi32, #tpu.memory_space<hbm>>) target(%arg8 : memref<512xi32, #tpu.memory_space<vmem>>) target_semaphore(%run_scoped3A : memref<!tpu.dma_semaphore, #tpu.memory_space<semaphore_mem>>)
      %dma_wait3A_20 = tpu.memref_slice %arg3[%mul3A_2] : memref<16384xi32, #tpu.memory_space<hbm>> -> memref<512xi32, #tpu.memory_space<hbm>>
      %dma_wait3A_21 = tpu.memref_slice %arg3[%mul3A_2] : memref<16384xi32, #tpu.memory_space<hbm>> -> memref<512xi32, #tpu.memory_space<hbm>>
      tpu.wait_dma2 semaphore(%run_scoped3A : memref<!tpu.dma_semaphore, #tpu.memory_space<semaphore_mem>>) src(%dma_wait3A_21 : memref<512xi32, #tpu.memory_space<hbm>>) dst(%arg8 : memref<512xi32, #tpu.memory_space<vmem>>)
      tpu.yield
    }) : () -> ()
    %dma_start3A = arith.constant 0 : i32
    %dma_start3A_3 = arith.constant 0 : i32
    %dma_start3A_4 = tpu.memref_slice %arg4[%dma_start3A, %dma_start3A_3] : memref<1000000x32xf32, #tpu.memory_space<hbm>> -> memref<1000000x32xf32, #tpu.memory_space<hbm>>
    tpu.enqueue_indirect_dma source(%dma_start3A_4 : memref<1000000x32xf32, #tpu.memory_space<hbm>>) target(%arg9 : memref<512x32xf32, #tpu.memory_space<vmem>>) offsets(%arg7 : memref<512xi32, #tpu.memory_space<vmem>>) semaphore(%arg12 : memref<!tpu.dma_semaphore, #tpu.memory_space<semaphore_mem>>)
    %dma_start3A_5 = arith.constant 0 : i32
    %dma_start3A_6 = arith.constant 0 : i32
    %dma_start3A_7 = tpu.memref_slice %arg5[%dma_start3A_5, %dma_start3A_6] : memref<1000000x32xf32, #tpu.memory_space<hbm>> -> memref<1000000x32xf32, #tpu.memory_space<hbm>>
    tpu.enqueue_indirect_dma source(%dma_start3A_7 : memref<1000000x32xf32, #tpu.memory_space<hbm>>) target(%arg10 : memref<512x32xf32, #tpu.memory_space<vmem>>) offsets(%arg8 : memref<512xi32, #tpu.memory_space<vmem>>) semaphore(%arg12 : memref<!tpu.dma_semaphore, #tpu.memory_space<semaphore_mem>>)
    %dma_wait3A = arith.constant 0 : i32
    %dma_wait3A_8 = arith.constant 0 : i32
    %dma_wait3A_9 = tpu.memref_slice %arg4[%dma_wait3A, %dma_wait3A_8] : memref<1000000x32xf32, #tpu.memory_space<hbm>> -> memref<1000000x32xf32, #tpu.memory_space<hbm>>
    tpu.wait_indirect_dma semaphore(%arg12 : memref<!tpu.dma_semaphore, #tpu.memory_space<semaphore_mem>>) src(%dma_wait3A_9 : memref<1000000x32xf32, #tpu.memory_space<hbm>>) dst(%arg9 : memref<512x32xf32, #tpu.memory_space<vmem>>)
    %dma_wait3A_10 = arith.constant 0 : i32
    %dma_wait3A_11 = arith.constant 0 : i32
    %dma_wait3A_12 = tpu.memref_slice %arg5[%dma_wait3A_10, %dma_wait3A_11] : memref<1000000x32xf32, #tpu.memory_space<hbm>> -> memref<1000000x32xf32, #tpu.memory_space<hbm>>
    tpu.wait_indirect_dma semaphore(%arg12 : memref<!tpu.dma_semaphore, #tpu.memory_space<semaphore_mem>>) src(%dma_wait3A_12 : memref<1000000x32xf32, #tpu.memory_space<hbm>>) dst(%arg10 : memref<512x32xf32, #tpu.memory_space<vmem>>)
    %iota3A = tpu.iota {dimensions = array<i32: 0>} : vector<16xi32>
    %scan3A = arith.constant 0 : i32
    %scan3A_13 = arith.constant 0 : i32
    %scan3A_14 = arith.constant 32 : i32
    %scan3A_15 = arith.addi %scan3A_13, %scan3A_14 : i32
    %scan3A_16 = arith.constant 1 : i32
    scf.for %scan3A_18 = %scan3A_13 to %scan3A_15 step %scan3A_16  : i32 {
      %mul3A_19 = arith.constant 16 : i32
      %mul3A_20 = arith.muli %scan3A_18, %mul3A_19 : i32
      %broadcast_in_dim3A = arith.constant 0.000000e+00 : f32
      %broadcast_in_dim3A_21 = vector.broadcast %broadcast_in_dim3A : f32 to vector<16xf32>
      %add3A_22 = arith.constant 0 : i32
      %add3A_23 = arith.addi %mul3A_20, %add3A_22 : i32
      %get3A = arith.index_cast %add3A_23 : i32 to index
      %get3A_24 = arith.constant 0 : index
      %get3A_25 = tpu.vector_load %arg9[%get3A, %get3A_24] {strides = array<i32>} : memref<512x32xf32, #tpu.memory_space<vmem>>, vector<16xf32>,
      %get3A_26 = arith.index_cast %add3A_23 : i32 to index
      %get3A_27 = arith.constant 16 : index
      %get3A_28 = tpu.vector_load %arg9[%get3A_26, %get3A_27] {strides = array<i32>} : memref<512x32xf32, #tpu.memory_space<vmem>>, vector<16xf32>,
      %get3A_29 = arith.index_cast %add3A_23 : i32 to index
      %get3A_30 = arith.constant 0 : index
      %get3A_31 = tpu.vector_load %arg10[%get3A_29, %get3A_30] {strides = array<i32>} : memref<512x32xf32, #tpu.memory_space<vmem>>, vector<16xf32>,
      %get3A_32 = arith.index_cast %add3A_23 : i32 to index
      %get3A_33 = arith.constant 16 : index
      %get3A_34 = tpu.vector_load %arg10[%get3A_32, %get3A_33] {strides = array<i32>} : memref<512x32xf32, #tpu.memory_space<vmem>>, vector<16xf32>,
      %mul3A_35 = arith.mulf %get3A_25, %get3A_31 : vector<16xf32>
      %mul3A_36 = arith.mulf %get3A_28, %get3A_34 : vector<16xf32>
      %add3A_37 = arith.addf %mul3A_35, %mul3A_36 : vector<16xf32>
      %reduce_sum3A = arith.constant true
      %reduce_sum3A_38 = vector.broadcast %reduce_sum3A : i1 to vector<16xi1>
      %reduce_sum3A_39 = tpu.scan <sum>, %add3A_37 masked %reduce_sum3A_38 : vector<16xf32>, vector<16xi1> -> vector<16xf32>
      %reduce_sum3A_40 = vector.extract %reduce_sum3A_39[15] : f32 from vector<16xf32>
      %eq3A = arith.constant 0 : i32
      %eq3A_41 = vector.broadcast %eq3A : i32 to vector<16xi32>
      %eq3A_42 = arith.cmpi eq, %iota3A, %eq3A_41 : vector<16xi32>
      %broadcast_in_dim3A_43 = vector.broadcast %reduce_sum3A_40 : f32 to vector<16xf32>
      %select_n3A = arith.select %eq3A_42, %broadcast_in_dim3A_43, %broadcast_in_dim3A_21 : vector<16xi1>, vector<16xf32>
      %add3A_44 = arith.constant 1 : i32
      %add3A_45 = arith.addi %mul3A_20, %add3A_44 : i32
      %get3A_46 = arith.index_cast %add3A_45 : i32 to index
      %get3A_47 = arith.constant 0 : index
      %get3A_48 = tpu.vector_load %arg9[%get3A_46, %get3A_47] {strides = array<i32>} : memref<512x32xf32, #tpu.memory_space<vmem>>, vector<16xf32>,
      %get3A_49 = arith.index_cast %add3A_45 : i32 to index
      %get3A_50 = arith.constant 16 : index
      %get3A_51 = tpu.vector_load %arg9[%get3A_49, %get3A_50] {strides = array<i32>} : memref<512x32xf32, #tpu.memory_space<vmem>>, vector<16xf32>,
      %get3A_52 = arith.index_cast %add3A_45 : i32 to index
      %get3A_53 = arith.constant 0 : index
      %get3A_54 = tpu.vector_load %arg10[%get3A_52, %get3A_53] {strides = array<i32>} : memref<512x32xf32, #tpu.memory_space<vmem>>, vector<16xf32>,
      %get3A_55 = arith.index_cast %add3A_45 : i32 to index
      %get3A_56 = arith.constant 16 : index
      %get3A_57 = tpu.vector_load %arg10[%get3A_55, %get3A_56] {strides = array<i32>} : memref<512x32xf32, #tpu.memory_space<vmem>>, vector<16xf32>,
      %mul3A_58 = arith.mulf %get3A_48, %get3A_54 : vector<16xf32>
      %mul3A_59 = arith.mulf %get3A_51, %get3A_57 : vector<16xf32>
      %add3A_60 = arith.addf %mul3A_58, %mul3A_59 : vector<16xf32>
      %reduce_sum3A_61 = arith.constant true
      %reduce_sum3A_62 = vector.broadcast %reduce_sum3A_61 : i1 to vector<16xi1>
      %reduce_sum3A_63 = tpu.scan <sum>, %add3A_60 masked %reduce_sum3A_62 : vector<16xf32>, vector<16xi1> -> vector<16xf32>
      %reduce_sum3A_64 = vector.extract %reduce_sum3A_63[15] : f32 from vector<16xf32>
      %eq3A_65 = arith.constant 1 : i32
      %eq3A_66 = vector.broadcast %eq3A_65 : i32 to vector<16xi32>
      %eq3A_67 = arith.cmpi eq, %iota3A, %eq3A_66 : vector<16xi32>
      %broadcast_in_dim3A_68 = vector.broadcast %reduce_sum3A_64 : f32 to vector<16xf32>
      %select_n3A_69 = arith.select %eq3A_67, %broadcast_in_dim3A_68, %select_n3A : vector<16xi1>, vector<16xf32>
      %add3A_70 = arith.constant 2 : i32
      %add3A_71 = arith.addi %mul3A_20, %add3A_70 : i32
      %get3A_72 = arith.index_cast %add3A_71 : i32 to index
      %get3A_73 = arith.constant 0 : index
      %get3A_74 = tpu.vector_load %arg9[%get3A_72, %get3A_73] {strides = array<i32>} : memref<512x32xf32, #tpu.memory_space<vmem>>, vector<16xf32>,
      %get3A_75 = arith.index_cast %add3A_71 : i32 to index
      %get3A_76 = arith.constant 16 : index
      %get3A_77 = tpu.vector_load %arg9[%get3A_75, %get3A_76] {strides = array<i32>} : memref<512x32xf32, #tpu.memory_space<vmem>>, vector<16xf32>,
      %get3A_78 = arith.index_cast %add3A_71 : i32 to index
      %get3A_79 = arith.constant 0 : index
      %get3A_80 = tpu.vector_load %arg10[%get3A_78, %get3A_79] {strides = array<i32>} : memref<512x32xf32, #tpu.memory_space<vmem>>, vector<16xf32>,
      %get3A_81 = arith.index_cast %add3A_71 : i32 to index
      %get3A_82 = arith.constant 16 : index
      %get3A_83 = tpu.vector_load %arg10[%get3A_81, %get3A_82] {strides = array<i32>} : memref<512x32xf32, #tpu.memory_space<vmem>>, vector<16xf32>,
      %mul3A_84 = arith.mulf %get3A_74, %get3A_80 : vector<16xf32>
      %mul3A_85 = arith.mulf %get3A_77, %get3A_83 : vector<16xf32>
      %add3A_86 = arith.addf %mul3A_84, %mul3A_85 : vector<16xf32>
      %reduce_sum3A_87 = arith.constant true
      %reduce_sum3A_88 = vector.broadcast %reduce_sum3A_87 : i1 to vector<16xi1>
      %reduce_sum3A_89 = tpu.scan <sum>, %add3A_86 masked %reduce_sum3A_88 : vector<16xf32>, vector<16xi1> -> vector<16xf32>
      %reduce_sum3A_90 = vector.extract %reduce_sum3A_89[15] : f32 from vector<16xf32>
      %eq3A_91 = arith.constant 2 : i32
      %eq3A_92 = vector.broadcast %eq3A_91 : i32 to vector<16xi32>
      %eq3A_93 = arith.cmpi eq, %iota3A, %eq3A_92 : vector<16xi32>
      %broadcast_in_dim3A_94 = vector.broadcast %reduce_sum3A_90 : f32 to vector<16xf32>
      %select_n3A_95 = arith.select %eq3A_93, %broadcast_in_dim3A_94, %select_n3A_69 : vector<16xi1>, vector<16xf32>
      %add3A_96 = arith.constant 3 : i32
      %add3A_97 = arith.addi %mul3A_20, %add3A_96 : i32
      %get3A_98 = arith.index_cast %add3A_97 : i32 to index
      %get3A_99 = arith.constant 0 : index
      %get3A_100 = tpu.vector_load %arg9[%get3A_98, %get3A_99] {strides = array<i32>} : memref<512x32xf32, #tpu.memory_space<vmem>>, vector<16xf32>,
      %get3A_101 = arith.index_cast %add3A_97 : i32 to index
      %get3A_102 = arith.constant 16 : index
      %get3A_103 = tpu.vector_load %arg9[%get3A_101, %get3A_102] {strides = array<i32>} : memref<512x32xf32, #tpu.memory_space<vmem>>, vector<16xf32>,
      %get3A_104 = arith.index_cast %add3A_97 : i32 to index
      %get3A_105 = arith.constant 0 : index
      %get3A_106 = tpu.vector_load %arg10[%get3A_104, %get3A_105] {strides = array<i32>} : memref<512x32xf32, #tpu.memory_space<vmem>>, vector<16xf32>,
      %get3A_107 = arith.index_cast %add3A_97 : i32 to index
      %get3A_108 = arith.constant 16 : index
      %get3A_109 = tpu.vector_load %arg10[%get3A_107, %get3A_108] {strides = array<i32>} : memref<512x32xf32, #tpu.memory_space<vmem>>, vector<16xf32>,
      %mul3A_110 = arith.mulf %get3A_100, %get3A_106 : vector<16xf32>
      %mul3A_111 = arith.mulf %get3A_103, %get3A_109 : vector<16xf32>
      %add3A_112 = arith.addf %mul3A_110, %mul3A_111 : vector<16xf32>
      %reduce_sum3A_113 = arith.constant true
      %reduce_sum3A_114 = vector.broadcast %reduce_sum3A_113 : i1 to vector<16xi1>
      %reduce_sum3A_115 = tpu.scan <sum>, %add3A_112 masked %reduce_sum3A_114 : vector<16xf32>, vector<16xi1> -> vector<16xf32>
      %reduce_sum3A_116 = vector.extract %reduce_sum3A_115[15] : f32 from vector<16xf32>
      %eq3A_117 = arith.constant 3 : i32
      %eq3A_118 = vector.broadcast %eq3A_117 : i32 to vector<16xi32>
      %eq3A_119 = arith.cmpi eq, %iota3A, %eq3A_118 : vector<16xi32>
      %broadcast_in_dim3A_120 = vector.broadcast %reduce_sum3A_116 : f32 to vector<16xf32>
      %select_n3A_121 = arith.select %eq3A_119, %broadcast_in_dim3A_120, %select_n3A_95 : vector<16xi1>, vector<16xf32>
      %add3A_122 = arith.constant 4 : i32
      %add3A_123 = arith.addi %mul3A_20, %add3A_122 : i32
      %get3A_124 = arith.index_cast %add3A_123 : i32 to index
      %get3A_125 = arith.constant 0 : index
      %get3A_126 = tpu.vector_load %arg9[%get3A_124, %get3A_125] {strides = array<i32>} : memref<512x32xf32, #tpu.memory_space<vmem>>, vector<16xf32>,
      %get3A_127 = arith.index_cast %add3A_123 : i32 to index
      %get3A_128 = arith.constant 16 : index
      %get3A_129 = tpu.vector_load %arg9[%get3A_127, %get3A_128] {strides = array<i32>} : memref<512x32xf32, #tpu.memory_space<vmem>>, vector<16xf32>,
      %get3A_130 = arith.index_cast %add3A_123 : i32 to index
      %get3A_131 = arith.constant 0 : index
      %get3A_132 = tpu.vector_load %arg10[%get3A_130, %get3A_131] {strides = array<i32>} : memref<512x32xf32, #tpu.memory_space<vmem>>, vector<16xf32>,
      %get3A_133 = arith.index_cast %add3A_123 : i32 to index
      %get3A_134 = arith.constant 16 : index
      %get3A_135 = tpu.vector_load %arg10[%get3A_133, %get3A_134] {strides = array<i32>} : memref<512x32xf32, #tpu.memory_space<vmem>>, vector<16xf32>,
      %mul3A_136 = arith.mulf %get3A_126, %get3A_132 : vector<16xf32>
      %mul3A_137 = arith.mulf %get3A_129, %get3A_135 : vector<16xf32>
      %add3A_138 = arith.addf %mul3A_136, %mul3A_137 : vector<16xf32>
      %reduce_sum3A_139 = arith.constant true
      %reduce_sum3A_140 = vector.broadcast %reduce_sum3A_139 : i1 to vector<16xi1>
      %reduce_sum3A_141 = tpu.scan <sum>, %add3A_138 masked %reduce_sum3A_140 : vector<16xf32>, vector<16xi1> -> vector<16xf32>
      %reduce_sum3A_142 = vector.extract %reduce_sum3A_141[15] : f32 from vector<16xf32>
      %eq3A_143 = arith.constant 4 : i32
      %eq3A_144 = vector.broadcast %eq3A_143 : i32 to vector<16xi32>
      %eq3A_145 = arith.cmpi eq, %iota3A, %eq3A_144 : vector<16xi32>
      %broadcast_in_dim3A_146 = vector.broadcast %reduce_sum3A_142 : f32 to vector<16xf32>
      %select_n3A_147 = arith.select %eq3A_145, %broadcast_in_dim3A_146, %select_n3A_121 : vector<16xi1>, vector<16xf32>
      %add3A_148 = arith.constant 5 : i32
      %add3A_149 = arith.addi %mul3A_20, %add3A_148 : i32
      %get3A_150 = arith.index_cast %add3A_149 : i32 to index
      %get3A_151 = arith.constant 0 : index
      %get3A_152 = tpu.vector_load %arg9[%get3A_150, %get3A_151] {strides = array<i32>} : memref<512x32xf32, #tpu.memory_space<vmem>>, vector<16xf32>,
      %get3A_153 = arith.index_cast %add3A_149 : i32 to index
      %get3A_154 = arith.constant 16 : index
      %get3A_155 = tpu.vector_load %arg9[%get3A_153, %get3A_154] {strides = array<i32>} : memref<512x32xf32, #tpu.memory_space<vmem>>, vector<16xf32>,
      %get3A_156 = arith.index_cast %add3A_149 : i32 to index
      %get3A_157 = arith.constant 0 : index
      %get3A_158 = tpu.vector_load %arg10[%get3A_156, %get3A_157] {strides = array<i32>} : memref<512x32xf32, #tpu.memory_space<vmem>>, vector<16xf32>,
      %get3A_159 = arith.index_cast %add3A_149 : i32 to index
      %get3A_160 = arith.constant 16 : index
      %get3A_161 = tpu.vector_load %arg10[%get3A_159, %get3A_160] {strides = array<i32>} : memref<512x32xf32, #tpu.memory_space<vmem>>, vector<16xf32>,
      %mul3A_162 = arith.mulf %get3A_152, %get3A_158 : vector<16xf32>
      %mul3A_163 = arith.mulf %get3A_155, %get3A_161 : vector<16xf32>
      %add3A_164 = arith.addf %mul3A_162, %mul3A_163 : vector<16xf32>
      %reduce_sum3A_165 = arith.constant true
      %reduce_sum3A_166 = vector.broadcast %reduce_sum3A_165 : i1 to vector<16xi1>
      %reduce_sum3A_167 = tpu.scan <sum>, %add3A_164 masked %reduce_sum3A_166 : vector<16xf32>, vector<16xi1> -> vector<16xf32>
      %reduce_sum3A_168 = vector.extract %reduce_sum3A_167[15] : f32 from vector<16xf32>
      %eq3A_169 = arith.constant 5 : i32
      %eq3A_170 = vector.broadcast %eq3A_169 : i32 to vector<16xi32>
      %eq3A_171 = arith.cmpi eq, %iota3A, %eq3A_170 : vector<16xi32>
      %broadcast_in_dim3A_172 = vector.broadcast %reduce_sum3A_168 : f32 to vector<16xf32>
      %select_n3A_173 = arith.select %eq3A_171, %broadcast_in_dim3A_172, %select_n3A_147 : vector<16xi1>, vector<16xf32>
      %add3A_174 = arith.constant 6 : i32
      %add3A_175 = arith.addi %mul3A_20, %add3A_174 : i32
      %get3A_176 = arith.index_cast %add3A_175 : i32 to index
      %get3A_177 = arith.constant 0 : index
      %get3A_178 = tpu.vector_load %arg9[%get3A_176, %get3A_177] {strides = array<i32>} : memref<512x32xf32, #tpu.memory_space<vmem>>, vector<16xf32>,
      %get3A_179 = arith.index_cast %add3A_175 : i32 to index
      %get3A_180 = arith.constant 16 : index
      %get3A_181 = tpu.vector_load %arg9[%get3A_179, %get3A_180] {strides = array<i32>} : memref<512x32xf32, #tpu.memory_space<vmem>>, vector<16xf32>,
      %get3A_182 = arith.index_cast %add3A_175 : i32 to index
      %get3A_183 = arith.constant 0 : index
      %get3A_184 = tpu.vector_load %arg10[%get3A_182, %get3A_183] {strides = array<i32>} : memref<512x32xf32, #tpu.memory_space<vmem>>, vector<16xf32>,
      %get3A_185 = arith.index_cast %add3A_175 : i32 to index
      %get3A_186 = arith.constant 16 : index
      %get3A_187 = tpu.vector_load %arg10[%get3A_185, %get3A_186] {strides = array<i32>} : memref<512x32xf32, #tpu.memory_space<vmem>>, vector<16xf32>,
      %mul3A_188 = arith.mulf %get3A_178, %get3A_184 : vector<16xf32>
      %mul3A_189 = arith.mulf %get3A_181, %get3A_187 : vector<16xf32>
      %add3A_190 = arith.addf %mul3A_188, %mul3A_189 : vector<16xf32>
      %reduce_sum3A_191 = arith.constant true
      %reduce_sum3A_192 = vector.broadcast %reduce_sum3A_191 : i1 to vector<16xi1>
      %reduce_sum3A_193 = tpu.scan <sum>, %add3A_190 masked %reduce_sum3A_192 : vector<16xf32>, vector<16xi1> -> vector<16xf32>
      %reduce_sum3A_194 = vector.extract %reduce_sum3A_193[15] : f32 from vector<16xf32>
      %eq3A_195 = arith.constant 6 : i32
      %eq3A_196 = vector.broadcast %eq3A_195 : i32 to vector<16xi32>
      %eq3A_197 = arith.cmpi eq, %iota3A, %eq3A_196 : vector<16xi32>
      %broadcast_in_dim3A_198 = vector.broadcast %reduce_sum3A_194 : f32 to vector<16xf32>
      %select_n3A_199 = arith.select %eq3A_197, %broadcast_in_dim3A_198, %select_n3A_173 : vector<16xi1>, vector<16xf32>
      %add3A_200 = arith.constant 7 : i32
      %add3A_201 = arith.addi %mul3A_20, %add3A_200 : i32
      %get3A_202 = arith.index_cast %add3A_201 : i32 to index
      %get3A_203 = arith.constant 0 : index
      %get3A_204 = tpu.vector_load %arg9[%get3A_202, %get3A_203] {strides = array<i32>} : memref<512x32xf32, #tpu.memory_space<vmem>>, vector<16xf32>,
      %get3A_205 = arith.index_cast %add3A_201 : i32 to index
      %get3A_206 = arith.constant 16 : index
      %get3A_207 = tpu.vector_load %arg9[%get3A_205, %get3A_206] {strides = array<i32>} : memref<512x32xf32, #tpu.memory_space<vmem>>, vector<16xf32>,
      %get3A_208 = arith.index_cast %add3A_201 : i32 to index
      %get3A_209 = arith.constant 0 : index
      %get3A_210 = tpu.vector_load %arg10[%get3A_208, %get3A_209] {strides = array<i32>} : memref<512x32xf32, #tpu.memory_space<vmem>>, vector<16xf32>,
      %get3A_211 = arith.index_cast %add3A_201 : i32 to index
      %get3A_212 = arith.constant 16 : index
      %get3A_213 = tpu.vector_load %arg10[%get3A_211, %get3A_212] {strides = array<i32>} : memref<512x32xf32, #tpu.memory_space<vmem>>, vector<16xf32>,
      %mul3A_214 = arith.mulf %get3A_204, %get3A_210 : vector<16xf32>
      %mul3A_215 = arith.mulf %get3A_207, %get3A_213 : vector<16xf32>
      %add3A_216 = arith.addf %mul3A_214, %mul3A_215 : vector<16xf32>
      %reduce_sum3A_217 = arith.constant true
      %reduce_sum3A_218 = vector.broadcast %reduce_sum3A_217 : i1 to vector<16xi1>
      %reduce_sum3A_219 = tpu.scan <sum>, %add3A_216 masked %reduce_sum3A_218 : vector<16xf32>, vector<16xi1> -> vector<16xf32>
      %reduce_sum3A_220 = vector.extract %reduce_sum3A_219[15] : f32 from vector<16xf32>
      %eq3A_221 = arith.constant 7 : i32
      %eq3A_222 = vector.broadcast %eq3A_221 : i32 to vector<16xi32>
      %eq3A_223 = arith.cmpi eq, %iota3A, %eq3A_222 : vector<16xi32>
      %broadcast_in_dim3A_224 = vector.broadcast %reduce_sum3A_220 : f32 to vector<16xf32>
      %select_n3A_225 = arith.select %eq3A_223, %broadcast_in_dim3A_224, %select_n3A_199 : vector<16xi1>, vector<16xf32>
      %add3A_226 = arith.constant 8 : i32
      %add3A_227 = arith.addi %mul3A_20, %add3A_226 : i32
      %get3A_228 = arith.index_cast %add3A_227 : i32 to index
      %get3A_229 = arith.constant 0 : index
      %get3A_230 = tpu.vector_load %arg9[%get3A_228, %get3A_229] {strides = array<i32>} : memref<512x32xf32, #tpu.memory_space<vmem>>, vector<16xf32>,
      %get3A_231 = arith.index_cast %add3A_227 : i32 to index
      %get3A_232 = arith.constant 16 : index
      %get3A_233 = tpu.vector_load %arg9[%get3A_231, %get3A_232] {strides = array<i32>} : memref<512x32xf32, #tpu.memory_space<vmem>>, vector<16xf32>,
      %get3A_234 = arith.index_cast %add3A_227 : i32 to index
      %get3A_235 = arith.constant 0 : index
      %get3A_236 = tpu.vector_load %arg10[%get3A_234, %get3A_235] {strides = array<i32>} : memref<512x32xf32, #tpu.memory_space<vmem>>, vector<16xf32>,
      %get3A_237 = arith.index_cast %add3A_227 : i32 to index
      %get3A_238 = arith.constant 16 : index
      %get3A_239 = tpu.vector_load %arg10[%get3A_237, %get3A_238] {strides = array<i32>} : memref<512x32xf32, #tpu.memory_space<vmem>>, vector<16xf32>,
      %mul3A_240 = arith.mulf %get3A_230, %get3A_236 : vector<16xf32>
      %mul3A_241 = arith.mulf %get3A_233, %get3A_239 : vector<16xf32>
      %add3A_242 = arith.addf %mul3A_240, %mul3A_241 : vector<16xf32>
      %reduce_sum3A_243 = arith.constant true
      %reduce_sum3A_244 = vector.broadcast %reduce_sum3A_243 : i1 to vector<16xi1>
      %reduce_sum3A_245 = tpu.scan <sum>, %add3A_242 masked %reduce_sum3A_244 : vector<16xf32>, vector<16xi1> -> vector<16xf32>
      %reduce_sum3A_246 = vector.extract %reduce_sum3A_245[15] : f32 from vector<16xf32>
      %eq3A_247 = arith.constant 8 : i32
      %eq3A_248 = vector.broadcast %eq3A_247 : i32 to vector<16xi32>
      %eq3A_249 = arith.cmpi eq, %iota3A, %eq3A_248 : vector<16xi32>
      %broadcast_in_dim3A_250 = vector.broadcast %reduce_sum3A_246 : f32 to vector<16xf32>
      %select_n3A_251 = arith.select %eq3A_249, %broadcast_in_dim3A_250, %select_n3A_225 : vector<16xi1>, vector<16xf32>
      %add3A_252 = arith.constant 9 : i32
      %add3A_253 = arith.addi %mul3A_20, %add3A_252 : i32
      %get3A_254 = arith.index_cast %add3A_253 : i32 to index
      %get3A_255 = arith.constant 0 : index
      %get3A_256 = tpu.vector_load %arg9[%get3A_254, %get3A_255] {strides = array<i32>} : memref<512x32xf32, #tpu.memory_space<vmem>>, vector<16xf32>,
      %get3A_257 = arith.index_cast %add3A_253 : i32 to index
      %get3A_258 = arith.constant 16 : index
      %get3A_259 = tpu.vector_load %arg9[%get3A_257, %get3A_258] {strides = array<i32>} : memref<512x32xf32, #tpu.memory_space<vmem>>, vector<16xf32>,
      %get3A_260 = arith.index_cast %add3A_253 : i32 to index
      %get3A_261 = arith.constant 0 : index
      %get3A_262 = tpu.vector_load %arg10[%get3A_260, %get3A_261] {strides = array<i32>} : memref<512x32xf32, #tpu.memory_space<vmem>>, vector<16xf32>,
      %get3A_263 = arith.index_cast %add3A_253 : i32 to index
      %get3A_264 = arith.constant 16 : index
      %get3A_265 = tpu.vector_load %arg10[%get3A_263, %get3A_264] {strides = array<i32>} : memref<512x32xf32, #tpu.memory_space<vmem>>, vector<16xf32>,
      %mul3A_266 = arith.mulf %get3A_256, %get3A_262 : vector<16xf32>
      %mul3A_267 = arith.mulf %get3A_259, %get3A_265 : vector<16xf32>
      %add3A_268 = arith.addf %mul3A_266, %mul3A_267 : vector<16xf32>
      %reduce_sum3A_269 = arith.constant true
      %reduce_sum3A_270 = vector.broadcast %reduce_sum3A_269 : i1 to vector<16xi1>
      %reduce_sum3A_271 = tpu.scan <sum>, %add3A_268 masked %reduce_sum3A_270 : vector<16xf32>, vector<16xi1> -> vector<16xf32>
      %reduce_sum3A_272 = vector.extract %reduce_sum3A_271[15] : f32 from vector<16xf32>
      %eq3A_273 = arith.constant 9 : i32
      %eq3A_274 = vector.broadcast %eq3A_273 : i32 to vector<16xi32>
      %eq3A_275 = arith.cmpi eq, %iota3A, %eq3A_274 : vector<16xi32>
      %broadcast_in_dim3A_276 = vector.broadcast %reduce_sum3A_272 : f32 to vector<16xf32>
      %select_n3A_277 = arith.select %eq3A_275, %broadcast_in_dim3A_276, %select_n3A_251 : vector<16xi1>, vector<16xf32>
      %add3A_278 = arith.constant 10 : i32
      %add3A_279 = arith.addi %mul3A_20, %add3A_278 : i32
      %get3A_280 = arith.index_cast %add3A_279 : i32 to index
      %get3A_281 = arith.constant 0 : index
      %get3A_282 = tpu.vector_load %arg9[%get3A_280, %get3A_281] {strides = array<i32>} : memref<512x32xf32, #tpu.memory_space<vmem>>, vector<16xf32>,
      %get3A_283 = arith.index_cast %add3A_279 : i32 to index
      %get3A_284 = arith.constant 16 : index
      %get3A_285 = tpu.vector_load %arg9[%get3A_283, %get3A_284] {strides = array<i32>} : memref<512x32xf32, #tpu.memory_space<vmem>>, vector<16xf32>,
      %get3A_286 = arith.index_cast %add3A_279 : i32 to index
      %get3A_287 = arith.constant 0 : index
      %get3A_288 = tpu.vector_load %arg10[%get3A_286, %get3A_287] {strides = array<i32>} : memref<512x32xf32, #tpu.memory_space<vmem>>, vector<16xf32>,
      %get3A_289 = arith.index_cast %add3A_279 : i32 to index
      %get3A_290 = arith.constant 16 : index
      %get3A_291 = tpu.vector_load %arg10[%get3A_289, %get3A_290] {strides = array<i32>} : memref<512x32xf32, #tpu.memory_space<vmem>>, vector<16xf32>,
      %mul3A_292 = arith.mulf %get3A_282, %get3A_288 : vector<16xf32>
      %mul3A_293 = arith.mulf %get3A_285, %get3A_291 : vector<16xf32>
      %add3A_294 = arith.addf %mul3A_292, %mul3A_293 : vector<16xf32>
      %reduce_sum3A_295 = arith.constant true
      %reduce_sum3A_296 = vector.broadcast %reduce_sum3A_295 : i1 to vector<16xi1>
      %reduce_sum3A_297 = tpu.scan <sum>, %add3A_294 masked %reduce_sum3A_296 : vector<16xf32>, vector<16xi1> -> vector<16xf32>
      %reduce_sum3A_298 = vector.extract %reduce_sum3A_297[15] : f32 from vector<16xf32>
      %eq3A_299 = arith.constant 10 : i32
      %eq3A_300 = vector.broadcast %eq3A_299 : i32 to vector<16xi32>
      %eq3A_301 = arith.cmpi eq, %iota3A, %eq3A_300 : vector<16xi32>
      %broadcast_in_dim3A_302 = vector.broadcast %reduce_sum3A_298 : f32 to vector<16xf32>
      %select_n3A_303 = arith.select %eq3A_301, %broadcast_in_dim3A_302, %select_n3A_277 : vector<16xi1>, vector<16xf32>
      %add3A_304 = arith.constant 11 : i32
      %add3A_305 = arith.addi %mul3A_20, %add3A_304 : i32
      %get3A_306 = arith.index_cast %add3A_305 : i32 to index
      %get3A_307 = arith.constant 0 : index
      %get3A_308 = tpu.vector_load %arg9[%get3A_306, %get3A_307] {strides = array<i32>} : memref<512x32xf32, #tpu.memory_space<vmem>>, vector<16xf32>,
      %get3A_309 = arith.index_cast %add3A_305 : i32 to index
      %get3A_310 = arith.constant 16 : index
      %get3A_311 = tpu.vector_load %arg9[%get3A_309, %get3A_310] {strides = array<i32>} : memref<512x32xf32, #tpu.memory_space<vmem>>, vector<16xf32>,
      %get3A_312 = arith.index_cast %add3A_305 : i32 to index
      %get3A_313 = arith.constant 0 : index
      %get3A_314 = tpu.vector_load %arg10[%get3A_312, %get3A_313] {strides = array<i32>} : memref<512x32xf32, #tpu.memory_space<vmem>>, vector<16xf32>,
      %get3A_315 = arith.index_cast %add3A_305 : i32 to index
      %get3A_316 = arith.constant 16 : index
      %get3A_317 = tpu.vector_load %arg10[%get3A_315, %get3A_316] {strides = array<i32>} : memref<512x32xf32, #tpu.memory_space<vmem>>, vector<16xf32>,
      %mul3A_318 = arith.mulf %get3A_308, %get3A_314 : vector<16xf32>
      %mul3A_319 = arith.mulf %get3A_311, %get3A_317 : vector<16xf32>
      %add3A_320 = arith.addf %mul3A_318, %mul3A_319 : vector<16xf32>
      %reduce_sum3A_321 = arith.constant true
      %reduce_sum3A_322 = vector.broadcast %reduce_sum3A_321 : i1 to vector<16xi1>
      %reduce_sum3A_323 = tpu.scan <sum>, %add3A_320 masked %reduce_sum3A_322 : vector<16xf32>, vector<16xi1> -> vector<16xf32>
      %reduce_sum3A_324 = vector.extract %reduce_sum3A_323[15] : f32 from vector<16xf32>
      %eq3A_325 = arith.constant 11 : i32
      %eq3A_326 = vector.broadcast %eq3A_325 : i32 to vector<16xi32>
      %eq3A_327 = arith.cmpi eq, %iota3A, %eq3A_326 : vector<16xi32>
      %broadcast_in_dim3A_328 = vector.broadcast %reduce_sum3A_324 : f32 to vector<16xf32>
      %select_n3A_329 = arith.select %eq3A_327, %broadcast_in_dim3A_328, %select_n3A_303 : vector<16xi1>, vector<16xf32>
      %add3A_330 = arith.constant 12 : i32
      %add3A_331 = arith.addi %mul3A_20, %add3A_330 : i32
      %get3A_332 = arith.index_cast %add3A_331 : i32 to index
      %get3A_333 = arith.constant 0 : index
      %get3A_334 = tpu.vector_load %arg9[%get3A_332, %get3A_333] {strides = array<i32>} : memref<512x32xf32, #tpu.memory_space<vmem>>, vector<16xf32>,
      %get3A_335 = arith.index_cast %add3A_331 : i32 to index
      %get3A_336 = arith.constant 16 : index
      %get3A_337 = tpu.vector_load %arg9[%get3A_335, %get3A_336] {strides = array<i32>} : memref<512x32xf32, #tpu.memory_space<vmem>>, vector<16xf32>,
      %get3A_338 = arith.index_cast %add3A_331 : i32 to index
      %get3A_339 = arith.constant 0 : index
      %get3A_340 = tpu.vector_load %arg10[%get3A_338, %get3A_339] {strides = array<i32>} : memref<512x32xf32, #tpu.memory_space<vmem>>, vector<16xf32>,
      %get3A_341 = arith.index_cast %add3A_331 : i32 to index
      %get3A_342 = arith.constant 16 : index
      %get3A_343 = tpu.vector_load %arg10[%get3A_341, %get3A_342] {strides = array<i32>} : memref<512x32xf32, #tpu.memory_space<vmem>>, vector<16xf32>,
      %mul3A_344 = arith.mulf %get3A_334, %get3A_340 : vector<16xf32>
      %mul3A_345 = arith.mulf %get3A_337, %get3A_343 : vector<16xf32>
      %add3A_346 = arith.addf %mul3A_344, %mul3A_345 : vector<16xf32>
      %reduce_sum3A_347 = arith.constant true
      %reduce_sum3A_348 = vector.broadcast %reduce_sum3A_347 : i1 to vector<16xi1>
      %reduce_sum3A_349 = tpu.scan <sum>, %add3A_346 masked %reduce_sum3A_348 : vector<16xf32>, vector<16xi1> -> vector<16xf32>
      %reduce_sum3A_350 = vector.extract %reduce_sum3A_349[15] : f32 from vector<16xf32>
      %eq3A_351 = arith.constant 12 : i32
      %eq3A_352 = vector.broadcast %eq3A_351 : i32 to vector<16xi32>
      %eq3A_353 = arith.cmpi eq, %iota3A, %eq3A_352 : vector<16xi32>
      %broadcast_in_dim3A_354 = vector.broadcast %reduce_sum3A_350 : f32 to vector<16xf32>
      %select_n3A_355 = arith.select %eq3A_353, %broadcast_in_dim3A_354, %select_n3A_329 : vector<16xi1>, vector<16xf32>
      %add3A_356 = arith.constant 13 : i32
      %add3A_357 = arith.addi %mul3A_20, %add3A_356 : i32
      %get3A_358 = arith.index_cast %add3A_357 : i32 to index
      %get3A_359 = arith.constant 0 : index
      %get3A_360 = tpu.vector_load %arg9[%get3A_358, %get3A_359] {strides = array<i32>} : memref<512x32xf32, #tpu.memory_space<vmem>>, vector<16xf32>,
      %get3A_361 = arith.index_cast %add3A_357 : i32 to index
      %get3A_362 = arith.constant 16 : index
      %get3A_363 = tpu.vector_load %arg9[%get3A_361, %get3A_362] {strides = array<i32>} : memref<512x32xf32, #tpu.memory_space<vmem>>, vector<16xf32>,
      %get3A_364 = arith.index_cast %add3A_357 : i32 to index
      %get3A_365 = arith.constant 0 : index
      %get3A_366 = tpu.vector_load %arg10[%get3A_364, %get3A_365] {strides = array<i32>} : memref<512x32xf32, #tpu.memory_space<vmem>>, vector<16xf32>,
      %get3A_367 = arith.index_cast %add3A_357 : i32 to index
      %get3A_368 = arith.constant 16 : index
      %get3A_369 = tpu.vector_load %arg10[%get3A_367, %get3A_368] {strides = array<i32>} : memref<512x32xf32, #tpu.memory_space<vmem>>, vector<16xf32>,
      %mul3A_370 = arith.mulf %get3A_360, %get3A_366 : vector<16xf32>
      %mul3A_371 = arith.mulf %get3A_363, %get3A_369 : vector<16xf32>
      %add3A_372 = arith.addf %mul3A_370, %mul3A_371 : vector<16xf32>
      %reduce_sum3A_373 = arith.constant true
      %reduce_sum3A_374 = vector.broadcast %reduce_sum3A_373 : i1 to vector<16xi1>
      %reduce_sum3A_375 = tpu.scan <sum>, %add3A_372 masked %reduce_sum3A_374 : vector<16xf32>, vector<16xi1> -> vector<16xf32>
      %reduce_sum3A_376 = vector.extract %reduce_sum3A_375[15] : f32 from vector<16xf32>
      %eq3A_377 = arith.constant 13 : i32
      %eq3A_378 = vector.broadcast %eq3A_377 : i32 to vector<16xi32>
      %eq3A_379 = arith.cmpi eq, %iota3A, %eq3A_378 : vector<16xi32>
      %broadcast_in_dim3A_380 = vector.broadcast %reduce_sum3A_376 : f32 to vector<16xf32>
      %select_n3A_381 = arith.select %eq3A_379, %broadcast_in_dim3A_380, %select_n3A_355 : vector<16xi1>, vector<16xf32>
      %add3A_382 = arith.constant 14 : i32
      %add3A_383 = arith.addi %mul3A_20, %add3A_382 : i32
      %get3A_384 = arith.index_cast %add3A_383 : i32 to index
      %get3A_385 = arith.constant 0 : index
      %get3A_386 = tpu.vector_load %arg9[%get3A_384, %get3A_385] {strides = array<i32>} : memref<512x32xf32, #tpu.memory_space<vmem>>, vector<16xf32>,
      %get3A_387 = arith.index_cast %add3A_383 : i32 to index
      %get3A_388 = arith.constant 16 : index
      %get3A_389 = tpu.vector_load %arg9[%get3A_387, %get3A_388] {strides = array<i32>} : memref<512x32xf32, #tpu.memory_space<vmem>>, vector<16xf32>,
      %get3A_390 = arith.index_cast %add3A_383 : i32 to index
      %get3A_391 = arith.constant 0 : index
      %get3A_392 = tpu.vector_load %arg10[%get3A_390, %get3A_391] {strides = array<i32>} : memref<512x32xf32, #tpu.memory_space<vmem>>, vector<16xf32>,
      %get3A_393 = arith.index_cast %add3A_383 : i32 to index
      %get3A_394 = arith.constant 16 : index
      %get3A_395 = tpu.vector_load %arg10[%get3A_393, %get3A_394] {strides = array<i32>} : memref<512x32xf32, #tpu.memory_space<vmem>>, vector<16xf32>,
      %mul3A_396 = arith.mulf %get3A_386, %get3A_392 : vector<16xf32>
      %mul3A_397 = arith.mulf %get3A_389, %get3A_395 : vector<16xf32>
      %add3A_398 = arith.addf %mul3A_396, %mul3A_397 : vector<16xf32>
      %reduce_sum3A_399 = arith.constant true
      %reduce_sum3A_400 = vector.broadcast %reduce_sum3A_399 : i1 to vector<16xi1>
      %reduce_sum3A_401 = tpu.scan <sum>, %add3A_398 masked %reduce_sum3A_400 : vector<16xf32>, vector<16xi1> -> vector<16xf32>
      %reduce_sum3A_402 = vector.extract %reduce_sum3A_401[15] : f32 from vector<16xf32>
      %eq3A_403 = arith.constant 14 : i32
      %eq3A_404 = vector.broadcast %eq3A_403 : i32 to vector<16xi32>
      %eq3A_405 = arith.cmpi eq, %iota3A, %eq3A_404 : vector<16xi32>
      %broadcast_in_dim3A_406 = vector.broadcast %reduce_sum3A_402 : f32 to vector<16xf32>
      %select_n3A_407 = arith.select %eq3A_405, %broadcast_in_dim3A_406, %select_n3A_381 : vector<16xi1>, vector<16xf32>
      %add3A_408 = arith.constant 15 : i32
      %add3A_409 = arith.addi %mul3A_20, %add3A_408 : i32
      %get3A_410 = arith.index_cast %add3A_409 : i32 to index
      %get3A_411 = arith.constant 0 : index
      %get3A_412 = tpu.vector_load %arg9[%get3A_410, %get3A_411] {strides = array<i32>} : memref<512x32xf32, #tpu.memory_space<vmem>>, vector<16xf32>,
      %get3A_413 = arith.index_cast %add3A_409 : i32 to index
      %get3A_414 = arith.constant 16 : index
      %get3A_415 = tpu.vector_load %arg9[%get3A_413, %get3A_414] {strides = array<i32>} : memref<512x32xf32, #tpu.memory_space<vmem>>, vector<16xf32>,
      %get3A_416 = arith.index_cast %add3A_409 : i32 to index
      %get3A_417 = arith.constant 0 : index
      %get3A_418 = tpu.vector_load %arg10[%get3A_416, %get3A_417] {strides = array<i32>} : memref<512x32xf32, #tpu.memory_space<vmem>>, vector<16xf32>,
      %get3A_419 = arith.index_cast %add3A_409 : i32 to index
      %get3A_420 = arith.constant 16 : index
      %get3A_421 = tpu.vector_load %arg10[%get3A_419, %get3A_420] {strides = array<i32>} : memref<512x32xf32, #tpu.memory_space<vmem>>, vector<16xf32>,
      %mul3A_422 = arith.mulf %get3A_412, %get3A_418 : vector<16xf32>
      %mul3A_423 = arith.mulf %get3A_415, %get3A_421 : vector<16xf32>
      %add3A_424 = arith.addf %mul3A_422, %mul3A_423 : vector<16xf32>
      %reduce_sum3A_425 = arith.constant true
      %reduce_sum3A_426 = vector.broadcast %reduce_sum3A_425 : i1 to vector<16xi1>
      %reduce_sum3A_427 = tpu.scan <sum>, %add3A_424 masked %reduce_sum3A_426 : vector<16xf32>, vector<16xi1> -> vector<16xf32>
      %reduce_sum3A_428 = vector.extract %reduce_sum3A_427[15] : f32 from vector<16xf32>
      %eq3A_429 = arith.constant 15 : i32
      %eq3A_430 = vector.broadcast %eq3A_429 : i32 to vector<16xi32>
      %eq3A_431 = arith.cmpi eq, %iota3A, %eq3A_430 : vector<16xi32>
      %broadcast_in_dim3A_432 = vector.broadcast %reduce_sum3A_428 : f32 to vector<16xf32>
      %select_n3A_433 = arith.select %eq3A_431, %broadcast_in_dim3A_432, %select_n3A_407 : vector<16xi1>, vector<16xf32>
      %neg3A = arith.constant 0.000000e+00 : f32
      %neg3A_434 = vector.broadcast %neg3A : f32 to vector<16xf32>
      %neg3A_435 = arith.subf %neg3A_434, %select_n3A_433 : vector<16xf32>
      %exp3A = math.exp %neg3A_435 : vector<16xf32>
      %add3A_436 = arith.constant 1.000000e+00 : f32
      %add3A_437 = vector.broadcast %add3A_436 : f32 to vector<16xf32>
      %add3A_438 = arith.addf %add3A_437, %exp3A : vector<16xf32>
      %div3A = arith.constant 1.000000e+00 : f32
      %div3A_439 = vector.broadcast %div3A : f32 to vector<16xf32>
      %div3A_440 = arith.divf %div3A_439, %add3A_438 : vector<16xf32>
      %swap3A = arith.index_cast %mul3A_20 : i32 to index
      %swap3A_441 = tpu.vector_load %arg11[%swap3A] {strides = array<i32>} : memref<512xf32, #tpu.memory_space<vmem>>, vector<16xf32>,
      tpu.vector_store %arg11[%swap3A], %div3A_440 {strides = array<i32>} : memref<512xf32, #tpu.memory_space<vmem>>, vector<16xf32>,
    }
    %scan3A_17 = arith.constant 32 : i32
    "tpu.region"() ({
      %run_scoped3A = tpu.sem_alloc : memref<!tpu.dma_semaphore, #tpu.memory_space<semaphore_mem>>
      %dma_start3A_18 = tpu.memref_slice %arg6[%mul3A_2] : memref<16384xf32, #tpu.memory_space<hbm>> -> memref<512xf32, #tpu.memory_space<hbm>>
      %dma_start3A_19 = tpu.memref_slice %arg6[%mul3A_2] : memref<16384xf32, #tpu.memory_space<hbm>> -> memref<512xf32, #tpu.memory_space<hbm>>
      tpu.enqueue_dma source(%arg11 : memref<512xf32, #tpu.memory_space<vmem>>) target(%dma_start3A_19 : memref<512xf32, #tpu.memory_space<hbm>>) target_semaphore(%run_scoped3A : memref<!tpu.dma_semaphore, #tpu.memory_space<semaphore_mem>>)
      %dma_wait3A_20 = tpu.memref_slice %arg6[%mul3A_2] : memref<16384xf32, #tpu.memory_space<hbm>> -> memref<512xf32, #tpu.memory_space<hbm>>
      %dma_wait3A_21 = tpu.memref_slice %arg6[%mul3A_2] : memref<16384xf32, #tpu.memory_space<hbm>> -> memref<512xf32, #tpu.memory_space<hbm>>
      tpu.wait_dma2 semaphore(%run_scoped3A : memref<!tpu.dma_semaphore, #tpu.memory_space<semaphore_mem>>) src(%arg11 : memref<512xf32, #tpu.memory_space<vmem>>) dst(%dma_wait3A_21 : memref<512xf32, #tpu.memory_space<hbm>>)
      tpu.yield
    }) : () -> ()
    return
  }
}

</mosaic_0001>

<sc_bundles>
// kernel: _mf_forward.3.cloned.1.call-start
scs
__scs_entry_jumppad:
0x0: {  	(pc) =	sbr.rel $0x88, $3  }
0x1: {  	(tag) =	ssettag $0x0;
	lr =	simm.s32 $0x1  }
0x2: {  	[smem:$0x3F9D] =	sst lr;
	_ =	strace $0xD0000000  }
0x3: {  	_ = 	snop  }
0x4: {  	_ = 	snop  }
0x5: {  	_ = 	snop  }
0x6: {  	_ = 	snop  }
0x7: {  	_ = 	snop  }
__scs_overlays_trampoline_lowered:
0x8: {  	[smem:$0x3FAC] =	sst s0  }
0x9: {  	[smem:$0x3FAD] =	sst s1  }
0xa: {  	[smem:$0x3FAE] =	sst s2  }
0xb: {  	[smem:$0x3FAF] =	sst s3  }
0xc: {  	[smem:$0x3FB0] =	sst s4  }
0xd: {  	[smem:$0x3FB1] =	sst s5  }
0xe: {  	[smem:$0x3FB2] =	sst s6  }
0xf: {  	[smem:$0x3FB3] =	sst s7  }
0x10: {  	[smem:$0x3FB4] =	sst s8  }
0x11: {  	[smem:$0x3FB5] =	sst s9;
	s0 =	simm.s32 @!p0 $0x0  }
0x12: {  	s1 =	sld [smem:$0x3F9B];
	s0 =	simm.s32 @p0 $0x1  }
0x13: {  	[smem:$0x3FB6] =	sst s0;
	s0 =	simm.s32 @!p1 $0x0  }
0x14: {  	s2 =	sld [smem:$0x3F9A];
	s0 =	simm.s32 @p1 $0x1  }
0x15: {  	[smem:$0x3FB7] =	sst s0;
	s0 =	simm.s32 @!p2 $0x0  }
0x16: {  	s3 =	sld [smem:$0x3FDB];
	s0 =	simm.s32 @p2 $0x1  }
0x17: {  	s4 =	simm.s32 $0x1BF5;
	[smem:$0x3FB9] =	sst s0  }
0x18: {  	s0 =	sld [smem:$0x3F9C];
	_ =	swait.ge [sflag:s4], $0x0  }
0x19: {  	s7 =	sld [smem:$0x3F9D]  }
0x1a: {  	s8 =	sadd.s32 $0xFFFFE003, lr  }
0x1b: {  	s9 =	sadd.s32 $0xFFFFFEF7, lr;
	s5 =	simm.s32 $0xFFFFFFFF;
	p2 =	slt.u32 s8, $0xFFFFF086  }
0x1c: {  	p1 =	slt.u32 s9, $0xF7A;
	s5 =	simm.s32 @!p2 $0x0  }
0x1d: {  	s5 =	simm.s32 @p1 $0x1;
	p0 =	seq.s32 s7, s2  }
0x1e: {  	s7 =	smul.u32 @!p0 $0xF7A, s2;
	p2 =	seq.s32 @!p0 s5, $0x0  }
0x1f: {  	s9 =	smul.u32 $0xF7A, s1;
	s8 =	simm.s32 @!p0 $0x1BF5;
	p2 =	por !p2, p0  }
0x20: {  	[sflag:s8] =	ssyncset.s32 @!p0 $0xFFFFF086;
	s6 =	sadd.s32 @!p0 s3, s7;
	s7 =	simm.s32 @!p0 $0x108  }
0x21: {  	s3 =	sadd.s32 s3, s9;
	s6 =	sadd.s32 @!p0 $0x88, s6;
	s7 =	simm.s32 @p2 $0x1082  }
0x22: {  	[simem:s7], [sflag:s8] =	dma.local @!p0 [hbm:s6], $0xF7A  }
0x23: {  	s9 =	sor.u32 $0xD0000000, s2;
	s6 =	simm.s32 $0x108;
	_ =	swait.ge @!p0 [sflag:s8], $0x0  }
0x24: {  	s3 =	sadd.s32 $0x88, s3;
	s6 =	simm.s32 @!p1 $0x1082;
	[sflag:s4] =	ssyncset.s32 $0xFFFFF086  }
0x25: {  	[simem:s6], [sflag:s4] =	dma.local [hbm:s3], $0xF7A  }
0x26: {  	[smem:$0x3F9D] =	sst s1;
	(tag) =	ssettag s2;
	_ =	strace s9  }
0x27: {  	s1 =	sld [smem:$0x3FAD]  }
0x28: {  	s2 =	sld [smem:$0x3FAE]  }
0x29: {  	s4 =	sld [smem:$0x3FB0]  }
0x2a: {  	p0 =	seq.s32 s5, $0x0;
	s5 =	sld [smem:$0x3FB1]  }
0x2b: {  	s6 =	sld [smem:$0x3FB2]  }
0x2c: {  	s7 =	sld [smem:$0x3FB3]  }
0x2d: {  	s3 =	simm.s32 $0x108;
	s8 =	sld [smem:$0x3FB4]  }
0x2e: {  	s3 =	simm.s32 @!p0 $0x1082;
	s9 =	sld [smem:$0x3FB5]  }
0x2f: {  	lr =	sadd.s32 s0, s3;
	s0 =	sld [smem:$0x3FAC]  }
0x30: {  	s3 =	sld [smem:$0x3FAF]  }
0x31: {  	[smem:$0x3FB8] =	sst s10  }
0x32: {  	s10 =	sld [smem:$0x3FB6];
	_ =	sdelay $0x3  }
0x33: {  	p0 =	seq.s32 s10, $0x1;
	s10 =	sld [smem:$0x3FB8];
	_ =	sdelay $0x3  }
0x34: {  	[smem:$0x3FB8] =	sst s10  }
0x35: {  	s10 =	sld [smem:$0x3FB7];
	_ =	sdelay $0x3  }
0x36: {  	p1 =	seq.s32 s10, $0x1;
	s10 =	sld [smem:$0x3FB8];
	_ =	sdelay $0x3  }
0x37: {  	[smem:$0x3FB8] =	sst s10  }
0x38: {  	s10 =	sld [smem:$0x3FB9]  }
0x39: {  	_ = 	snop;
	(pc) =	sbr.ind lr, $3  }
0x3a: {  	_ = 	snop  }
0x3b: {  	_ = 	snop  }
0x3c: {  	p2 =	seq.s32 s10, $0x1;
	s10 =	sld [smem:$0x3FB8]  }
0x3d: {  	_ =	shalt  }
0x3e: {  	_ =	shalt  }
0x3f: {  	_ =	shalt  }
0x40: {  	_ =	shalt  }
0x41: {  	_ =	shalt  }
0x42: {  	_ =	shalt  }
0x43: {  	_ =	shalt  }
0x44: {  	_ =	shalt  }
0x45: {  	_ =	shalt  }
0x46: {  	_ =	shalt  }
0x47: {  	_ =	shalt  }
0x48: {  	_ =	shalt  }
0x49: {  	_ =	shalt  }
0x4a: {  	_ =	shalt  }
0x4b: {  	_ =	shalt  }
0x4c: {  	_ =	shalt  }
0x4d: {  	_ =	shalt  }
0x4e: {  	_ =	shalt  }
0x4f: {  	_ =	shalt  }
0x50: {  	_ =	shalt  }
0x51: {  	_ =	shalt  }
0x52: {  	_ =	shalt  }
0x53: {  	_ =	shalt  }
0x54: {  	_ =	shalt  }
0x55: {  	_ =	shalt  }
0x56: {  	_ =	shalt  }
0x57: {  	_ =	shalt  }
0x58: {  	_ =	shalt  }
0x59: {  	_ =	shalt  }
0x5a: {  	_ =	shalt  }
0x5b: {  	_ =	shalt  }
0x5c: {  	_ =	shalt  }
0x5d: {  	_ =	shalt  }
0x5e: {  	_ =	shalt  }
0x5f: {  	_ =	shalt  }
0x60: {  	_ =	shalt  }
0x61: {  	_ =	shalt  }
0x62: {  	_ =	shalt  }
0x63: {  	_ =	shalt  }
0x64: {  	_ =	shalt  }
0x65: {  	_ =	shalt  }
0x66: {  	_ =	shalt  }
0x67: {  	_ =	shalt  }
0x68: {  	_ =	shalt  }
0x69: {  	_ =	shalt  }
0x6a: {  	_ =	shalt  }
0x6b: {  	_ =	shalt  }
0x6c: {  	_ =	shalt  }
0x6d: {  	_ =	shalt  }
0x6e: {  	_ =	shalt  }
0x6f: {  	_ =	shalt  }
0x70: {  	_ =	shalt  }
0x71: {  	_ =	shalt  }
0x72: {  	_ =	shalt  }
0x73: {  	_ =	shalt  }
0x74: {  	_ =	shalt  }
0x75: {  	_ =	shalt  }
0x76: {  	_ =	shalt  }
0x77: {  	_ =	shalt  }
0x78: {  	_ =	shalt  }
0x79: {  	_ =	shalt  }
0x7a: {  	_ =	shalt  }
0x7b: {  	_ =	shalt  }
0x7c: {  	_ =	shalt  }
0x7d: {  	_ =	shalt  }
0x7e: {  	_ =	shalt  }
0x7f: {  	_ =	shalt  }
0x80: {  	_ =	shalt  }
0x81: {  	_ =	shalt  }
0x82: {  	_ =	shalt  }
0x83: {  	_ =	shalt  }
0x84: {  	_ =	shalt  }
0x85: {  	_ =	shalt  }
0x86: {  	_ =	shalt  }
0x87: {  	_ =	shalt  }
.Lfunc_end0:
.L_simem_size_0:
called_computation_lowered:
.L_overlay_start_0:
0x88: {  	s2 =	sld [smem:$0x3FD9]  }
0x89: {  	s3 =	sld [smem:$0x3FFE];
	_ =	sdelay $0x1  }
0x8a: {  	s1 =	srdreg.scid  }
0x8b: {  	s0 =	sand.u32 $0x1, s1  }
0x8c: {  	s17 =	sshll.u32 s0, $0xA;
	s2 =	sadd.s32 s3, s2  }
0x8d: {  	s2 =	sadd.s32 s2, s17  }
0x8e: {  	[smem:$0x3FC4] =	sst s2  }
0x8f: {  	_ = 	snop  }
0x90: {  	s2 =	sld [smem:$0x3FC9]  }
0x91: {  	s18 =	sld [smem:$0x3FC8]  }
0x92: {  	s4 =	sld [smem:$0x3FD0];
	(tm) =	ssettm $0x1  }
0x93: {  	s5 =	sld [smem:$0x3FFB];
	_ =	sdelay $0x3  }
0x94: {  	_ =	strace s5  }
0x95: {  	s5 =	sld [smem:$0x3FFC];
	_ =	sdelay $0x3  }
0x96: {  	_ =	strace s5  }
0x97: {  	s5 =	sld [smem:$0x3FFD];
	_ =	sdelay $0x3  }
0x98: {  	_ =	strace s5  }
0x99: {  	_ =	strace $0x8FFFFFFF  }
0x9a: {  	s19 =	sld [smem:$0x3FDB];
	_ =	sdelay $0x1  }
0x9b: {  	s6 =	simm.s32 $_scs_section_size  }
0x9c: {  	s7 =	simm.s32 $_size__tile_overlayer_lowered;
	s8 =	simm.s32 $_tile_overlayer_lowered  }
0x9d: {  	s22 =	simm.s32 $0x1BFF;
	s21 =	sshll.u32 s8, $0x1;
	s5 =	sadd.s32 s6, s19  }
0x9e: {  	s9 =	simm.s32 $0x0;
	s20 =	sshll.u32 s7, $0x1;
	s7 =	sadd.s32 s21, s5  }
0x9f: {  	[timem:s9], [sflag:s22] =	dma.local [hbm:s7], s20  }
0xa0: {  	_ =	swait.ge [sflag:s22], s20  }
0xa1: {  	s6 =	ssub.s32 $0x0, s20;
	[sflag:s22] =	ssyncset.done $0x0  }
0xa2: {  	[sflag:s22] =	ssyncadd.s32 s6;
	_ =	sdelay $0x1  }
0xa3: {  	s23 =	simm.s32 $0x1B8B  }
0xa4: {  	_ =	swait.ge [sflag:s23], $0x1  }
0xa5: {  	[sflag:s23] =	ssyncset.done $0x0  }
0xa6: {  	s25 =	simm.s32 $0x1B8E;
	s24 =	sld [smem:$0x3FFE];
	[sflag:s23] =	ssyncadd.s32 $0xFFFFFFFF  }
0xa7: {  	s26 =	simm.s32 $execute0_lowered;
	[smem:$0x3FD2] =	sst s25  }
0xa8: {  	s7 =	sshll.u32 s26, $0x1;
	_ =	strace $0x80000046;
	[dreg:$0x1] =	wrdreg $0xFFFFFFFF  }
0xa9: {  	s28 =	simm.s32 $_size_execute0_lowered;
	s5 =	sadd.s32 s5, s7;
	[dreg:$0x0] =	wrdreg $0x0  }
0xaa: {  	s7 =	sshll.u32 s28, $0x1;
	[dreg:$0x2] =	wrdreg s5  }
0xab: {  	[dreg:$0x3] =	wrdreg s7  }
0xac: {  	[dreg:$0x4] =	wrdreg $0xC0  }
0xad: {  	_ =	task [dreg:s9], $0x5FFFF  }
0xae: {  	[dreg:$0x1] =	wrdreg $0xFFFFFFFF  }
0xaf: {  	[dreg:$0x0] =	wrdreg $0x60  }
0xb0: {  	[dreg:$0x2] =	wrdreg s2  }
0xb1: {  	[dreg:$0x3] =	wrdreg s18  }
0xb2: {  	[dreg:$0x4] =	wrdreg s24  }
0xb3: {  	[dreg:$0x5] =	wrdreg s4  }
0xb4: {  	[dreg:$0x6] =	wrdreg $0x9  }
0xb5: {  	_ =	task.clear_ibuf [dreg:s9], $0x7FFFF;
	_ =	strace $0x90000046  }
0xb6: {  	s29 =	simm.s32 $0x9;
	_ =	strace $0x80000048  }
0xb7: {  	_ =	swait.ge [sflag:s29], $0x1  }
0xb8: {  	[sflag:s29] =	ssyncadd.s32 $0xFFFFFFFF  }
0xb9: {  	_ =	strace $0x90000048  }
0xba: {  	_ =	sfence  }
0xbb: {  	s30 =	sld [smem:$0x0];
	_ =	sdelay $0x2  }
0xbc: {  	s31 =	sshll.u32 s1, $0xD;
	s1 =	sshrl.u32 s1, $0x2  }
0xbd: {  	s3 =	sand.u32 $0x4000, s31;
	s1 =	sadd.s32 s1, s30  }
0xbe: {  	s0 =	sor.u32 s3, s0;
	s1 =	sshll.u32 s1, $0x11  }
0xbf: {  	s0 =	sor.u32 s1, s0  }
0xc0: {  	s0 =	sadd.s32 $0x8F2B, s0  }
0xc1: {  	[sflag:s0] =	ssyncadd.remote.s32 $0x1  }
0xc2: {  	_ =	sfence.sel $0xFFFF  }
0xc3: {  	[dreg:$0x0] =	wrdreg $0xFFFFFFFF;
	(pc) =	sbr.abs _section_cstart, $3  }
0xc4: {  	[dreg:$0x1] =	wrdreg $0xFFFFFFFF  }
0xc5: {  	_ =	task.clear_ibuf [dreg:s9], $0x2FFFF;
	_ =	strace $0x9FFFFFFF  }
0xc6: {  	(tm) =	ssettm $0x7FFFFFFF  }
0xc7: {  	_ =	shalt  }
tec
execute0_lowered:
.L_overlay_start_1:
0x0: {  	(tag) =	ssettag $0x1  }
0x1: {  	s5 =	rddreg [dreg:$0x0]  }
0x2: {  	s6 =	rddreg [dreg:$0x1]  }
0x3: {  	s4 =	rddreg [dreg:$0x2]  }
0x4: {  	s7 =	rddreg [dreg:$0x3]  }
0x5: {  	s0 =	rddreg [dreg:$0x4];
	s1 =	simm.s32 $0x0  }
0x6: {  	s8 =	srdreg.scid;
	s2 =	stileid.u32;
	s12 =	simm.s32 $0x4400  }
0x7: {  	s13 =	simm.s32 $0x1;
	s14 =	simm.s32 $0x8400;
	s15 =	simm.s32 $0x0  }
0x8: {  	[smem:$0x7FF] =	sst s1;
	s3 =	sadd.s32 $0xF42800, s4;
	s8 =	sand.u32 $0x1, s8  }
0x9: {  	vm0 =	vmmov $0x1;
	vm1 =	vmmov $0x3;
	vm2 =	vmmov $0x7;
	s10 =	sshll.u32 s2, $0x7;
	s4 =	sadd.s32 $0x1313200, s4;
	s9 =	ssub.s32 $0x2, s8  }
0xa: {  	vm3 =	vmmov $0xf;
	vm4 =	vmmov $0x1f;
	vm5 =	vmmov $0x3f;
	_ =	strace $0x80000047;
	s8 =	sshll.u32 s8, $0x6;
	s11 =	sshrl.u32 s9, $0x1  }
0xb: {  	vm6 =	vmmov $0x7f;
	vm7 =	vmmov $0xff;
	vm8 =	vmmov $0x1ff;
	s8 =	sor.u32 s8, s10;
	s10 =	simm.s32 $0x200;
	s9 =	ssub.s32 s9, s11  }
0xc: {  	vm9 =	vmmov $0x3ff;
	vm10 =	vmmov $0x7ff;
	vm11 =	vmmov $0xfff;
	s5 =	sadd.s32 s5, s8;
	s6 =	sadd.s32 s6, s8;
	s7 =	sadd.s32 s7, s8  }
0xd: {  	vm12 =	vmmov $0x1fff;
	vm13 =	vmmov $0x3fff;
	vm14 =	vmmov $0x7fff;
	s11 =	simm.s32 $0x400;
	s8 =	smax.u32 s9, $0x1;
	s9 =	simm.s32 $0x2  }
.LBB2_1:
0xe: {  	[tilespmem:s1], [sflag:$0x2] =	stream.linear.gather [hbm4b:s5+s1], $0x200, $0x38;
	[tilespmem:$0x8600] =	vst v63  }
0xf: {  	_ =	swait.ge [sflag:s9], $0x200  }
0x10: {  	[sflag:s9] =	ssyncset.done $0x0  }
0x11: {  	[sflag:s9] =	ssyncadd.s32 $0xFFFFFE00  }
0x12: {  	[tilespmem:s10], [sflag:$0x2] =	stream.linear.gather [hbm4b:s6+s1], $0x200, $0x38;
	[tilespmem:$0x8600] =	vst v63  }
0x13: {  	_ =	swait.ge [sflag:s9], $0x200  }
0x14: {  	[sflag:s9] =	ssyncset.done $0x0  }
0x15: {  	[sflag:s9] =	ssyncadd.s32 $0xFFFFFE00  }
0x16: {  	[tilespmem:s11], [sflag:$0x1] =	stream.indirect.gather [hbm4b:s3+s10], $0x20, s1, s10, $0xb8;
	[tilespmem:$0x8600] =	vst v63  }
0x17: {  	_ = 	snop  }
0x18: {  	[tilespmem:s12], [sflag:$0x1] =	stream.indirect.gather [hbm4b:s4+s10], $0x20, s10, s10, $0xb8;
	[tilespmem:$0x8600] =	vst v63  }
0x19: {  	_ =	swait.ge [sflag:s13], $0x4000  }
0x1a: {  	[sflag:s13] =	ssyncset.done $0x0  }
0x1b: {  	[sflag:s13] =	ssyncadd.s32 $0xFFFFC000  }
0x1c: {  	_ =	swait.ge [sflag:s13], $0x4000  }
0x1d: {  	[sflag:s13] =	ssyncset.done $0x0  }
0x1e: {  	s16 =	simm.s32 $0x0;
	[sflag:s13] =	ssyncadd.s32 $0xFFFFC000  }
0x1f: {  	v0 =	vld [tilespmem:s16+$0x5C0]  }
0x20: {  	v1 =	vld [tilespmem:s16+$0x45C0]  }
0x21: {  	v2 =	vld [tilespmem:s16+$0x5D0]  }
0x22: {  	v3 =	vld [tilespmem:s16+$0x45D0]  }
0x23: {  	v4 =	vld [tilespmem:s16+$0x5A0]  }
0x24: {  	v5 =	vld [tilespmem:s16+$0x580]  }
0x25: {  	v6 =	vld [tilespmem:s16+$0x4580]  }
0x26: {  	v7 =	vld [tilespmem:s16+$0x590]  }
0x27: {  	v8 =	vld [tilespmem:s16+$0x4590]  }
0x28: {  	v9 =	vld [tilespmem:s16+$0x560]  }
0x29: {  	v10 =	vld [tilespmem:s16+$0x4560]  }
0x2a: {  	v11 =	vld [tilespmem:s16+$0x570]  }
0x2b: {  	v12 =	vld [tilespmem:s16+$0x4570]  }
0x2c: {  	v13 =	vld [tilespmem:s16+$0x540]  }
0x2d: {  	v14 =	vld [tilespmem:s16+$0x520]  }
0x2e: {  	v15 =	vld [tilespmem:s16+$0x4520]  }
0x2f: {  	v16 =	vld [tilespmem:s16+$0x530]  }
0x30: {  	v17 =	vld [tilespmem:s16+$0x4530]  }
0x31: {  	v18 =	vld [tilespmem:s16+$0x500]  }
0x32: {  	v19 =	vld [tilespmem:s16+$0x4500]  }
0x33: {  	v20 =	vld [tilespmem:s16+$0x510]  }
0x34: {  	v21 =	vld [tilespmem:s16+$0x4510]  }
0x35: {  	v22 =	vld [tilespmem:s16+$0x4E0]  }
0x36: {  	v23 =	vld [tilespmem:s16+$0x4C0]  }
0x37: {  	v24 =	vld [tilespmem:s16+$0x44C0]  }
0x38: {  	v25 =	vld [tilespmem:s16+$0x4D0]  }
0x39: {  	v26 =	vld [tilespmem:s16+$0x44D0]  }
0x3a: {  	v27 =	vld [tilespmem:s16+$0x4A0]  }
0x3b: {  	v28 =	vld [tilespmem:s16+$0x44A0]  }
0x3c: {  	v29 =	vld [tilespmem:s16+$0x4B0]  }
0x3d: {  	v30 =	vld [tilespmem:s16+$0x44B0]  }
0x3e: {  	v31 =	vld [tilespmem:s16+$0x480]  }
0x3f: {  	v32 =	vld [tilespmem:s16+$0x460]  }
0x40: {  	v33 =	vld [tilespmem:s16+$0x4460]  }
0x41: {  	v34 =	vld [tilespmem:s16+$0x470]  }
0x42: {  	v35 =	vld [tilespmem:s16+$0x4470]  }
0x43: {  	v36 =	vld [tilespmem:s16+$0x440]  }
0x44: {  	v37 =	vld [tilespmem:s16+$0x4440]  }
0x45: {  	v38 =	vld [tilespmem:s16+$0x450]  }
0x46: {  	v39 =	vld [tilespmem:s16+$0x4450]  }
0x47: {  	v40 =	vld [tilespmem:s16+$0x4400]  }
0x48: {  	v41 =	vld [tilespmem:s16+$0x400]  }
0x49: {  	v0 =	vmul.f32 v1, v0;
	v1 =	vmul.f32 v3, v2;
	v2 =	vld [tilespmem:s16+$0x410]  }
0x4a: {  	v3 =	vmul.f32 v6, v5;
	v5 =	vmul.f32 v8, v7;
	v6 =	vld [tilespmem:s16+$0x4410]  }
0x4b: {  	v7 =	vmul.f32 v12, v11;
	v8 =	vld [tilespmem:s16+$0x420];
	v0 =	vadd.f32 v1, v0;
	v1 =	vmul.f32 v10, v9  }
0x4c: {  	v11 =	vld [tilespmem:s16+$0x430];
	v3 =	vadd.f32 v5, v3;
	v5 =	vmul.f32 v15, v14;
	v9 =	vmul.f32 v17, v16  }
0x4d: {  	v12 =	vld [tilespmem:s16+$0x4430];
	(xrf2) =	vadd.scan.msk.f32 $0xffff, v0;
	v0 =	vadd.f32 v7, v1;
	v1 =	vmul.f32 v19, v18;
	v7 =	vmul.f32 v21, v20  }
0x4e: {  	v10 =	vld [tilespmem:s16+$0x4420];
	(xrf2) =	vadd.scan.msk.f32 $0xffff, v3;
	v3 =	vadd.f32 v9, v5;
	v5 =	vmul.f32 v24, v23;
	v9 =	vmul.f32 v26, v25  }
0x4f: {  	v14 =	vld [tilespmem:s16+$0x4480];
	(xrf2) =	vadd.scan.msk.f32 $0xffff, v0;
	v0 =	vadd.f32 v7, v1;
	v1 =	vmul.f32 v28, v27;
	v7 =	vmul.f32 v30, v29  }
0x50: {  	v15 =	vld [tilespmem:s16+$0x490];
	(xrf2) =	vadd.scan.msk.f32 $0xffff, v3;
	v3 =	vadd.f32 v9, v5;
	v5 =	vmul.f32 v33, v32;
	v9 =	vmul.f32 v35, v34  }
0x51: {  	v16 =	vld [tilespmem:s16+$0x4490];
	(xrf2) =	vadd.scan.msk.f32 $0xffff, v0;
	v0 =	vadd.f32 v7, v1;
	v1 =	vmul.f32 v37, v36;
	v7 =	vmul.f32 v39, v38  }
0x52: {  	v2 =	vmul.f32 v6, v2;
	v6 =	vld [tilespmem:s16+$0x44E0];
	(xrf2) =	vadd.scan.msk.f32 $0xffff, v3;
	v3 =	vadd.f32 v9, v5  }
0x53: {  	v5 =	vmul.f32 v40, v41;
	(xrf2) =	vadd.scan.msk.f32 $0xffff, v0;
	v0 =	vadd.f32 v7, v1;
	v1 =	vmul.f32 v10, v8;
	v8 =	vld [tilespmem:s16+$0x4F0]  }
0x54: {  	v7 =	vmul.f32 v12, v11;
	v10 =	vld [tilespmem:s16+$0x4550]  }
0x55: {  	(xrf2) =	vadd.scan.msk.f32 $0xffff, v3;
	v2 =	vadd.f32 v2, v5;
	v3 =	vld [tilespmem:s16+$0x44F0]  }
0x56: {  	(xrf2) =	vadd.scan.msk.f32 $0xffff, v0;
	v0 =	vadd.f32 v7, v1;
	v1 =	vld [tilespmem:s16+$0x4540]  }
0x57: {  	v5 =	vmul.f32 v16, v15;
	v7 =	vld [tilespmem:s16+$0x550];
	(xrf2) =	vadd.scan.msk.f32 $0xffff, v2;
	v2 =	vmul.f32 v14, v31  }
0x58: {  	v14 =	vld [tilespmem:s16+$0x45B0]  }
0x59: {  	v9, _, _ =	vpop (xrf2);
	(xrf2) =	vadd.scan.msk.f32 $0xffff, v0;
	v2 =	vadd.f32 v5, v2;
	v5 =	vld [tilespmem:s16+$0x45A0]  }
0x5a: {  	v6 =	vmul.f32 v6, v22;
	v0, _, _ =	vpop (xrf2);
	v3 =	vmul.f32 v3, v8;
	v8 =	vld [tilespmem:s16+$0x5B0]  }
0x5b: {  	v11, _, _ =	vpop (xrf2)  }
0x5c: {  	v12, _, _ =	vpop (xrf2);
	v3 =	vadd.f32 v3, v6  }
0x5d: {  	(xrf2) =	vadd.scan.msk.f32 $0xffff, v2;
	v2, _, _ =	vpop (xrf2)  }
0x5e: {  	v1 =	vmul.f32 v1, v13;
	v7 =	vmul.f32 v10, v7;
	v15, _, _ =	vpop (xrf2)  }
0x5f: {  	v4 =	vmul.f32 v5, v4;
	v13, _, _ =	vpop (xrf2);
	v5 =	vmul.f32 v14, v8  }
0x60: {  	v10 =	vld [tilespmem:s16+$0x45E0];
	(xrf2) =	vadd.scan.msk.f32 $0xffff, v3;
	v3, _, _ =	vpop (xrf2)  }
0x61: {  	v6 =	vld [tilespmem:s16+$0x5E0];
	v1 =	vadd.f32 v7, v1;
	v17, _, _ =	vpop (xrf2)  }
0x62: {  	v16 =	vld [tilespmem:s16+$0x5F0];
	v8, _, _ =	vpop (xrf2)  }
0x63: {  	v7 =	vld [tilespmem:s16+$0x45F0];
	(xrf2) =	vadd.scan.msk.f32 $0xffff, v1;
	v1 =	vadd.f32 v5, v4;
	v5, _, _ =	vpop (xrf2)  }
0x64: {  	v5 =	vbroadcast v5, $0xF;
	_ =	sdelay $0x1  }
0x65: {  	v4 =	vmul.f32 v10, v6;
	v6 =	vbroadcast v8, $0xF  }
0x66: {  	v8 =	vbroadcast v17, $0xF  }
0x67: {  	v3 =	vbroadcast v3, $0xF;
	v7 =	vmul.f32 v7, v16;
	(xrf2) =	vadd.scan.msk.f32 $0xffff, v1;
	v1 =	vsel vm0, v6, v5;
	v5, _, _ =	vpop (xrf2)  }
0x68: {  	v1 =	vsel vm1, v1, v8;
	v5 =	vbroadcast v5, $0xF  }
0x69: {  	v4 =	vadd.f32 v7, v4;
	v1 =	vsel vm2, v1, v3;
	v3 =	vbroadcast v13, $0xF  }
0x6a: {  	v6, _, _ =	vpop (xrf2);
	v1 =	vsel vm3, v1, v5;
	v5 =	vbroadcast v15, $0xF  }
0x6b: {  	v1 =	vsel vm4, v1, v3;
	v3 =	vbroadcast v6, $0xF  }
0x6c: {  	v2 =	vbroadcast v2, $0xF;
	(xrf2) =	vadd.scan.msk.f32 $0xffff, v4;
	v1 =	vsel vm5, v1, v5  }
0x6d: {  	v4, _, _ =	vpop (xrf2);
	v1 =	vsel vm6, v1, v3;
	v3 =	vbroadcast v12, $0xF  }
0x6e: {  	v1 =	vsel vm7, v1, v2;
	v2 =	vbroadcast v4, $0xF  }
0x6f: {  	v1 =	vsel vm8, v1, v3;
	v3 =	vbroadcast v11, $0xF  }
0x70: {  	v0 =	vbroadcast v0, $0xF;
	v1 =	vsel vm9, v1, v2  }
0x71: {  	v1 =	vsel vm10, v1, v3  }
0x72: {  	v2, _, _ =	vpop (xrf2);
	v0 =	vsel vm11, v1, v0;
	v1 =	vbroadcast v9, $0xF  }
0x73: {  	v2 =	vbroadcast v2, $0xF;
	_ =	sdelay $0x1  }
0x74: {  	v0 =	vsel vm12, v0, v2  }
0x75: {  	v0 =	vsel vm13, v0, v1;
	v1, _, _ =	vpop (xrf2)  }
0x76: {  	v0 =	vsel vm14, v0, v1  }
0x77: {  	v0 =	vsub.f32 $0.0e+00, v0;
	_ =	sdelay $0x1  }
0x78: {  	v0 =	vmul.f32 $1.442695020e+00, v0;
	_ =	sdelay $0x1  }
0x79: {  	(erf) = vpow2.f32 v0;
	_ =	sdelay $0x8  }
0x7a: {  	v0 =	vpop (erf)  }
0x7b: {  	v0 =	vadd.f32 $1.000000000e+00, v0;
	_ =	sdelay $0x1  }
0x7c: {  	(erf) = vrcp.f32 v0;
	_ =	sdelay $0x8  }
0x7d: {  	v0 =	vpop (erf)  }
0x7e: {  	s17 =	simm.s32 $0x200;
	[tilespmem:s14+$0x0] =	vst v0  }
0x7f: {  	v2 =	vld [tilespmem:s17+$0x5C0]  }
0x80: {  	v3 =	vld [tilespmem:s17+$0x45C0]  }
0x81: {  	v5 =	vld [tilespmem:s17+$0x5D0]  }
0x82: {  	v6 =	vld [tilespmem:s17+$0x45D0]  }
0x83: {  	v0 =	vld [tilespmem:s17+$0x5A0]  }
0x84: {  	v7 =	vld [tilespmem:s17+$0x580]  }
0x85: {  	v8 =	vld [tilespmem:s17+$0x4580]  }
0x86: {  	v9 =	vld [tilespmem:s17+$0x590]  }
0x87: {  	v10 =	vld [tilespmem:s17+$0x4590]  }
0x88: {  	v11 =	vld [tilespmem:s17+$0x560]  }
0x89: {  	v12 =	vld [tilespmem:s17+$0x4560]  }
0x8a: {  	v13 =	vld [tilespmem:s17+$0x570]  }
0x8b: {  	v14 =	vld [tilespmem:s17+$0x4570]  }
0x8c: {  	v1 =	vld [tilespmem:s17+$0x540]  }
0x8d: {  	v15 =	vld [tilespmem:s17+$0x520]  }
0x8e: {  	v16 =	vld [tilespmem:s17+$0x4520]  }
0x8f: {  	v17 =	vld [tilespmem:s17+$0x530]  }
0x90: {  	v18 =	vld [tilespmem:s17+$0x4530]  }
0x91: {  	v19 =	vld [tilespmem:s17+$0x500]  }
0x92: {  	v54 =	vld [tilespmem:s17+$0x4500]  }
0x93: {  	v55 =	vld [tilespmem:s17+$0x510]  }
0x94: {  	v56 =	vld [tilespmem:s17+$0x4510]  }
0x95: {  	v4 =	vld [tilespmem:s17+$0x4E0]  }
0x96: {  	v57 =	vld [tilespmem:s17+$0x4C0]  }
0x97: {  	v58 =	vld [tilespmem:s17+$0x44C0]  }
0x98: {  	v59 =	vld [tilespmem:s17+$0x4D0]  }
0x99: {  	v60 =	vld [tilespmem:s17+$0x44D0];
	v2 =	vmul.f32 v3, v2;
	v3 =	vmul.f32 v6, v5  }
0x9a: {  	v61 =	vld [tilespmem:s17+$0x4A0];
	v6 =	vmul.f32 v8, v7;
	v8 =	vmul.f32 v10, v9  }
0x9b: {  	v62 =	vld [tilespmem:s17+$0x44A0];
	v2 =	vadd.f32 v3, v2  }
0x9c: {  	v63 =	vld [tilespmem:s17+$0x4450];
	v9 =	vmul.f32 v14, v13;
	v3 =	vmul.f32 v12, v11;
	v6 =	vadd.f32 v8, v6  }
0x9d: {  	v5 =	vld [tilespmem:s17+$0x4B0];
	v8 =	vmul.f32 v16, v15;
	v11 =	vmul.f32 v18, v17;
	(xrf2) =	vadd.scan.msk.f32 $0xffff, v2  }
0x9e: {  	v10 =	vld [tilespmem:s17+$0x44B0];
	v2 =	vadd.f32 v9, v3;
	(xrf2) =	vadd.scan.msk.f32 $0xffff, v6  }
0x9f: {  	v7 =	vld [tilespmem:s17+$0x480];
	v3 =	vadd.f32 v11, v8  }
0xa0: {  	v13 =	vld [tilespmem:s17+$0x460];
	(xrf2) =	vadd.scan.msk.f32 $0xffff, v2  }
0xa1: {  	v14 =	vld [tilespmem:s17+$0x4460];
	v2 =	vmul.f32 v54, v19;
	(xrf2) =	vadd.scan.msk.f32 $0xffff, v3;
	v3 =	vmul.f32 v56, v55  }
0xa2: {  	v16 =	vld [tilespmem:s17+$0x440]  }
0xa3: {  	v11 =	vld [tilespmem:s17+$0x4470];
	v3 =	vadd.f32 v3, v2  }
0xa4: {  	v12 =	vmul.f32 v58, v57;
	v15 =	vmul.f32 v60, v59;
	v6 =	vld [tilespmem:s17+$0x470]  }
0xa5: {  	v17 =	vld [tilespmem:s17+$0x4440];
	(xrf2) =	vadd.scan.msk.f32 $0xffff, v3  }
0xa6: {  	v18 =	vld [tilespmem:s17+$0x450];
	v15 =	vadd.f32 v15, v12  }
0xa7: {  	v8 =	vld [tilespmem:s17+$0x4400];
	v5 =	vmul.f32 v10, v5;
	v19 =	vmul.f32 v62, v61;
	v2, _, _ =	vpop (xrf2)  }
0xa8: {  	v9 =	vld [tilespmem:s17+$0x400];
	v3, _, _ =	vpop (xrf2);
	(xrf2) =	vadd.scan.msk.f32 $0xffff, v15  }
0xa9: {  	v12 =	vld [tilespmem:s17+$0x4410];
	v19 =	vadd.f32 v5, v19;
	v6 =	vmul.f32 v11, v6  }
0xaa: {  	v10 =	vld [tilespmem:s17+$0x410];
	v14 =	vmul.f32 v14, v13  }
0xab: {  	v13 =	vld [tilespmem:s17+$0x4420];
	(xrf2) =	vadd.scan.msk.f32 $0xffff, v19  }
0xac: {  	v11 =	vld [tilespmem:s17+$0x420];
	v15 =	vadd.f32 v6, v14;
	v5, _, _ =	vpop (xrf2)  }
0xad: {  	s18 =	simm.s32 $0x1000;
	s16 =	simm.s32 $0x8400;
	v16 =	vmul.f32 v17, v16;
	v17 =	vmul.f32 v63, v18;
	v14 =	vld [tilespmem:s17+$0x430];
	v6, _, _ =	vpop (xrf2)  }
.LBB2_2:
0xae: {  	p0 =	sne.s32 s18, $0xF800;
	v18 =	vld [tilespmem:s17+$0x4430];
	(xrf2) =	vadd.scan.msk.f32 $0xffff, v15  }
0xaf: {  	v19 =	vadd.f32 v17, v16;
	v16 =	vld [tilespmem:s17+$0x4480];
	v17, _, _ =	vpop (xrf2)  }
0xb0: {  	v8 =	vmul.f32 v8, v9;
	v9 =	vmul.f32 v12, v10;
	v10 =	vld [tilespmem:s17+$0x490]  }
0xb1: {  	v12 =	vld [tilespmem:s17+$0x4490];
	(xrf2) =	vadd.scan.msk.f32 $0xffff, v19  }
0xb2: {  	v8 =	vadd.f32 v9, v8;
	v9 =	vld [tilespmem:s17+$0x44E0];
	v15, _, _ =	vpop (xrf2)  }
0xb3: {  	v11 =	vmul.f32 v13, v11;
	v19 =	vmul.f32 v18, v14;
	v14 =	vld [tilespmem:s17+$0x4F0]  }
0xb4: {  	v18 =	vld [tilespmem:s17+$0x44F0];
	(xrf2) =	vadd.scan.msk.f32 $0xffff, v8  }
0xb5: {  	v8 =	vadd.f32 v19, v11;
	v11 =	vld [tilespmem:s17+$0x4540];
	v13, _, _ =	vpop (xrf2)  }
0xb6: {  	v7 =	vmul.f32 v16, v7;
	v19 =	vmul.f32 v12, v10;
	v12 =	vld [tilespmem:s17+$0x550]  }
0xb7: {  	v16 =	vld [tilespmem:s17+$0x4550];
	(xrf2) =	vadd.scan.msk.f32 $0xffff, v8  }
0xb8: {  	v7 =	vadd.f32 v19, v7;
	v8 =	vld [tilespmem:s17+$0x45A0];
	v10, _, _ =	vpop (xrf2)  }
0xb9: {  	v4 =	vmul.f32 v9, v4;
	v19 =	vmul.f32 v18, v14;
	v14 =	vld [tilespmem:s17+$0x5B0]  }
0xba: {  	v18 =	vld [tilespmem:s17+$0x45B0];
	(xrf2) =	vadd.scan.msk.f32 $0xffff, v7  }
0xbb: {  	v4 =	vadd.f32 v19, v4;
	v7 =	vld [tilespmem:s17+$0x5E0];
	v9, _, _ =	vpop (xrf2)  }
0xbc: {  	v1 =	vmul.f32 v11, v1;
	v19 =	vmul.f32 v16, v12;
	v12 =	vld [tilespmem:s17+$0x45E0]  }
0xbd: {  	v16 =	vld [tilespmem:s17+$0x5F0];
	(xrf2) =	vadd.scan.msk.f32 $0xffff, v4  }
0xbe: {  	v1 =	vadd.f32 v19, v1;
	v4 =	vld [tilespmem:s17+$0x45F0];
	v11, _, _ =	vpop (xrf2)  }
0xbf: {  	v0 =	vmul.f32 v8, v0;
	v8 =	vmul.f32 v18, v14  }
0xc0: {  	(xrf2) =	vadd.scan.msk.f32 $0xffff, v1  }
0xc1: {  	v0 =	vadd.f32 v8, v0;
	v1 =	vmul.f32 v12, v7;
	v7, _, _ =	vpop (xrf2)  }
0xc2: {  	v11 =	vbroadcast v11, $0xF;
	v7 =	vbroadcast v7, $0xF  }
0xc3: {  	v9 =	vbroadcast v9, $0xF;
	v4 =	vmul.f32 v4, v16;
	(xrf2) =	vadd.scan.msk.f32 $0xffff, v0  }
0xc4: {  	v0 =	vsel vm0, v11, v7;
	v7 =	vbroadcast v10, $0xF;
	v8, _, _ =	vpop (xrf2)  }
0xc5: {  	v0 =	vsel vm1, v0, v9;
	v9 =	vbroadcast v8, $0xF;
	v1 =	vadd.f32 v4, v1  }
0xc6: {  	v4 =	vbroadcast v13, $0xF;
	v0 =	vsel vm2, v0, v7  }
0xc7: {  	v7 =	vbroadcast v15, $0xF;
	v0 =	vsel vm3, v0, v9;
	v8, _, _ =	vpop (xrf2);
	(xrf2) =	vadd.scan.msk.f32 $0xffff, v1  }
0xc8: {  	v0 =	vsel vm4, v0, v4;
	v1 =	vbroadcast v8, $0xF  }
0xc9: {  	v4 =	vbroadcast v17, $0xF;
	v0 =	vsel vm5, v0, v7  }
0xca: {  	v0 =	vsel vm6, v0, v1;
	v1 =	vbroadcast v6, $0xF;
	v6, _, _ =	vpop (xrf2)  }
0xcb: {  	v0 =	vsel vm7, v0, v4;
	v6 =	vbroadcast v6, $0xF  }
0xcc: {  	v0 =	vsel vm8, v0, v1;
	v1 =	vbroadcast v5, $0xF  }
0xcd: {  	v3 =	vbroadcast v3, $0xF;
	v0 =	vsel vm9, v0, v6;
	v4, _, _ =	vpop (xrf2)  }
0xce: {  	v0 =	vsel vm10, v0, v1;
	v4 =	vbroadcast v4, $0xF  }
0xcf: {  	v2 =	vbroadcast v2, $0xF;
	v0 =	vsel vm11, v0, v3  }
0xd0: {  	v0 =	vsel vm12, v0, v4  }
0xd1: {  	v0 =	vsel vm13, v0, v2;
	v1, _, _ =	vpop (xrf2)  }
0xd2: {  	v0 =	vsel vm14, v0, v1  }
0xd3: {  	v0 =	vsub.f32 $0.0e+00, v0;
	_ =	sdelay $0x1  }
0xd4: {  	v0 =	vmul.f32 $1.442695020e+00, v0;
	_ =	sdelay $0x1  }
0xd5: {  	(erf) = vpow2.f32 v0;
	_ =	sdelay $0x8  }
0xd6: {  	v0 =	vpop (erf)  }
0xd7: {  	v0 =	vadd.f32 $1.000000000e+00, v0;
	_ =	sdelay $0x1  }
0xd8: {  	(erf) = vrcp.f32 v0;
	_ =	sdelay $0x8  }
0xd9: {  	s16 =	sadd.s32 $0x10, s16;
	v0 =	vpop (erf)  }
0xda: {  	s17 =	sshra.s32 s18, $0x2;
	[tilespmem:s16+$0x0] =	vst v0  }
0xdb: {  	v2 =	vld [tilespmem:s17+$0x5C0]  }
0xdc: {  	v3 =	vld [tilespmem:s17+$0x45C0]  }
0xdd: {  	v5 =	vld [tilespmem:s17+$0x5D0]  }
0xde: {  	v6 =	vld [tilespmem:s17+$0x45D0]  }
0xdf: {  	v0 =	vld [tilespmem:s17+$0x5A0]  }
0xe0: {  	v7 =	vld [tilespmem:s17+$0x580]  }
0xe1: {  	v8 =	vld [tilespmem:s17+$0x4580]  }
0xe2: {  	v9 =	vld [tilespmem:s17+$0x590]  }
0xe3: {  	v10 =	vld [tilespmem:s17+$0x4590]  }
0xe4: {  	v11 =	vld [tilespmem:s17+$0x560]  }
0xe5: {  	v12 =	vld [tilespmem:s17+$0x4560]  }
0xe6: {  	v13 =	vld [tilespmem:s17+$0x570]  }
0xe7: {  	v14 =	vld [tilespmem:s17+$0x4570]  }
0xe8: {  	v1 =	vld [tilespmem:s17+$0x540]  }
0xe9: {  	v15 =	vld [tilespmem:s17+$0x520]  }
0xea: {  	v16 =	vld [tilespmem:s17+$0x4520]  }
0xeb: {  	v17 =	vld [tilespmem:s17+$0x530]  }
0xec: {  	v18 =	vld [tilespmem:s17+$0x4530]  }
0xed: {  	v19 =	vld [tilespmem:s17+$0x500]  }
0xee: {  	v20 =	vld [tilespmem:s17+$0x4500]  }
0xef: {  	v21 =	vld [tilespmem:s17+$0x510]  }
0xf0: {  	v22 =	vld [tilespmem:s17+$0x4510]  }
0xf1: {  	v2 =	vmul.f32 v3, v2;
	v3 =	vmul.f32 v6, v5;
	v4 =	vld [tilespmem:s17+$0x4E0]  }
0xf2: {  	v5 =	vld [tilespmem:s17+$0x4C0]  }
0xf3: {  	v2 =	vadd.f32 v3, v2;
	v6 =	vld [tilespmem:s17+$0x44C0]  }
0xf4: {  	v7 =	vmul.f32 v8, v7;
	v8 =	vmul.f32 v10, v9;
	v3 =	vld [tilespmem:s17+$0x4D0]  }
0xf5: {  	v9 =	vld [tilespmem:s17+$0x44D0];
	(xrf2) =	vadd.scan.msk.f32 $0xffff, v2  }
0xf6: {  	v2 =	vadd.f32 v8, v7;
	v10 =	vld [tilespmem:s17+$0x4A0]  }
0xf7: {  	v7 =	vmul.f32 v12, v11;
	v8 =	vmul.f32 v14, v13;
	v23 =	vld [tilespmem:s17+$0x44A0]  }
0xf8: {  	v11 =	vld [tilespmem:s17+$0x4B0];
	(xrf2) =	vadd.scan.msk.f32 $0xffff, v2  }
0xf9: {  	v2 =	vadd.f32 v8, v7;
	v12 =	vld [tilespmem:s17+$0x44B0]  }
0xfa: {  	v13 =	vmul.f32 v18, v17;
	v8 =	vmul.f32 v16, v15;
	v7 =	vld [tilespmem:s17+$0x480]  }
0xfb: {  	v14 =	vld [tilespmem:s17+$0x460];
	(xrf2) =	vadd.scan.msk.f32 $0xffff, v2  }
0xfc: {  	v24 =	vadd.f32 v13, v8;
	v15 =	vld [tilespmem:s17+$0x4460]  }
0xfd: {  	v16 =	vmul.f32 v22, v21;
	v8 =	vmul.f32 v20, v19;
	v13 =	vld [tilespmem:s17+$0x470]  }
0xfe: {  	v17 =	vld [tilespmem:s17+$0x4470];
	(xrf2) =	vadd.scan.msk.f32 $0xffff, v24  }
0xff: {  	v8 =	vadd.f32 v16, v8;
	v18 =	vld [tilespmem:s17+$0x440];
	v2, _, _ =	vpop (xrf2)  }
0x100: {  	v5 =	vmul.f32 v6, v5;
	v6 =	vmul.f32 v9, v3;
	v16 =	vld [tilespmem:s17+$0x4440]  }
0x101: {  	v19 =	vld [tilespmem:s17+$0x450];
	(xrf2) =	vadd.scan.msk.f32 $0xffff, v8  }
0x102: {  	v21 =	vadd.f32 v6, v5;
	v20 =	vld [tilespmem:s17+$0x4450];
	v3, _, _ =	vpop (xrf2)  }
0x103: {  	v6 =	vmul.f32 v23, v10;
	v11 =	vmul.f32 v12, v11;
	v8 =	vld [tilespmem:s17+$0x4400]  }
0x104: {  	v9 =	vld [tilespmem:s17+$0x400];
	(xrf2) =	vadd.scan.msk.f32 $0xffff, v21  }
.Ltmp0:
0x105: {  	v21 =	vadd.f32 v11, v6;
	v10 =	vld [tilespmem:s17+$0x410];
	v5, _, _ =	vpop (xrf2);
	(pc) =	sbr.rel @p0 .LBB2_2-.Ltmp0, $4  }
0x106: {  	v14 =	vmul.f32 v15, v14;
	v15 =	vmul.f32 v17, v13;
	v12 =	vld [tilespmem:s17+$0x4410]  }
0x107: {  	v11 =	vld [tilespmem:s17+$0x420];
	(xrf2) =	vadd.scan.msk.f32 $0xffff, v21  }
0x108: {  	v15 =	vadd.f32 v15, v14;
	v13 =	vld [tilespmem:s17+$0x4420];
	v6, _, _ =	vpop (xrf2)  }
0x109: {  	s18 =	sadd.s32 $0x800, s18;
	v16 =	vmul.f32 v16, v18;
	v17 =	vmul.f32 v20, v19;
	v14 =	vld [tilespmem:s17+$0x430]  }
0x10a: {  	v18 =	vld [tilespmem:s17+$0x4430]  }
0x10b: {  	v19 =	vld [tilespmem:s17+$0x4480]  }
0x10c: {  	v20 =	vld [tilespmem:s17+$0x490]  }
0x10d: {  	v21 =	vld [tilespmem:s17+$0x4490]  }
0x10e: {  	v8 =	vmul.f32 v8, v9;
	v63 =	vld [tilespmem:s17+$0x44E0];
	v62 =	vmul.f32 v12, v10  }
0x10f: {  	v24 =	vld [tilespmem:s17+$0x4F0];
	v22 =	vadd.f32 v17, v16;
	v11 =	vmul.f32 v13, v11;
	v23 =	vmul.f32 v18, v14  }
0x110: {  	(xrf2) =	vadd.scan.msk.f32 $0xffff, v15;
	v25 =	vld [tilespmem:s17+$0x44F0];
	v8 =	vadd.f32 v62, v8  }
0x111: {  	v26 =	vld [tilespmem:s17+$0x4540];
	(xrf2) =	vadd.scan.msk.f32 $0xffff, v22;
	v11 =	vadd.f32 v23, v11  }
0x112: {  	v28 =	vld [tilespmem:s17+$0x550];
	(xrf2) =	vadd.scan.msk.f32 $0xffff, v8;
	v7 =	vmul.f32 v19, v7;
	v27 =	vmul.f32 v21, v20  }
0x113: {  	v29 =	vld [tilespmem:s17+$0x4550];
	(xrf2) =	vadd.scan.msk.f32 $0xffff, v11  }
0x114: {  	v30 =	vld [tilespmem:s17+$0x45A0];
	v7 =	vadd.f32 v27, v7  }
0x115: {  	v31 =	vld [tilespmem:s17+$0x5B0];
	v4 =	vmul.f32 v63, v4;
	v9 =	vmul.f32 v25, v24  }
0x116: {  	v32 =	vld [tilespmem:s17+$0x45B0];
	(xrf2) =	vadd.scan.msk.f32 $0xffff, v7  }
0x117: {  	v34 =	vld [tilespmem:s17+$0x5E0];
	v33, _, _ =	vpop (xrf2);
	v4 =	vadd.f32 v9, v4  }
0x118: {  	v37 =	vld [tilespmem:s17+$0x45E0];
	v35, _, _ =	vpop (xrf2);
	v1 =	vmul.f32 v26, v1;
	v36 =	vmul.f32 v29, v28  }
0x119: {  	v39 =	vld [tilespmem:s17+$0x5F0];
	v38, _, _ =	vpop (xrf2);
	(xrf2) =	vadd.scan.msk.f32 $0xffff, v4  }
0x11a: {  	v41 =	vld [tilespmem:s17+$0x45F0];
	v1 =	vadd.f32 v36, v1;
	v40, _, _ =	vpop (xrf2)  }
0x11b: {  	v0 =	vmul.f32 v30, v0;
	v43 =	vmul.f32 v32, v31;
	v42, _, _ =	vpop (xrf2)  }
0x11c: {  	(xrf2) =	vadd.scan.msk.f32 $0xffff, v1;
	v44, _, _ =	vpop (xrf2)  }
0x11d: {  	v45 =	vmul.f32 v37, v34;
	v0 =	vadd.f32 v43, v0;
	v46, _, _ =	vpop (xrf2)  }
0x11e: {  	v47 =	vbroadcast v44, $0xF;
	v8 =	vbroadcast v46, $0xF  }
0x11f: {  	v49 =	vmul.f32 v41, v39;
	(xrf2) =	vadd.scan.msk.f32 $0xffff, v0;
	v48 =	vbroadcast v42, $0xF  }
0x120: {  	v4 =	vbroadcast v40, $0xF;
	v51, _, _ =	vpop (xrf2);
	v50 =	vsel vm0, v47, v8  }
0x121: {  	v1 =	vadd.f32 v49, v45;
	v8 =	vbroadcast v51, $0xF;
	v0 =	vsel vm1, v50, v48  }
0x122: {  	v52 =	vbroadcast v38, $0xF;
	v0 =	vsel vm2, v0, v4  }
0x123: {  	v53 =	vbroadcast v35, $0xF;
	v54, _, _ =	vpop (xrf2);
	(xrf2) =	vadd.scan.msk.f32 $0xffff, v1;
	v0 =	vsel vm3, v0, v8  }
0x124: {  	v55 =	vbroadcast v54, $0xF;
	v0 =	vsel vm4, v0, v52  }
0x125: {  	v56 =	vbroadcast v33, $0xF;
	v0 =	vsel vm5, v0, v53  }
0x126: {  	v57 =	vbroadcast v6, $0xF;
	v58, _, _ =	vpop (xrf2);
	v0 =	vsel vm6, v0, v55  }
0x127: {  	v59 =	vbroadcast v58, $0xF;
	v0 =	vsel vm7, v0, v56  }
0x128: {  	v60 =	vbroadcast v5, $0xF;
	v0 =	vsel vm8, v0, v57  }
0x129: {  	v3 =	vbroadcast v3, $0xF;
	v61, _, _ =	vpop (xrf2);
	v0 =	vsel vm9, v0, v59  }
0x12a: {  	v62 =	vbroadcast v61, $0xF;
	v0 =	vsel vm10, v0, v60  }
0x12b: {  	v2 =	vbroadcast v2, $0xF;
	v0 =	vsel vm11, v0, v3  }
0x12c: {  	v0 =	vsel vm12, v0, v62  }
0x12d: {  	v63, _, _ =	vpop (xrf2);
	v0 =	vsel vm13, v0, v2  }
0x12e: {  	v0 =	vsel vm14, v0, v63  }
0x12f: {  	v0 =	vsub.f32 $0.0e+00, v0;
	_ =	sdelay $0x1  }
0x130: {  	v0 =	vmul.f32 $1.442695020e+00, v0;
	_ =	sdelay $0x1  }
0x131: {  	(erf) = vpow2.f32 v0;
	_ =	sdelay $0x8  }
0x132: {  	v0 =	vpop (erf)  }
0x133: {  	v0 =	vadd.f32 $1.000000000e+00, v0;
	_ =	sdelay $0x1  }
0x134: {  	(erf) = vrcp.f32 v0;
	_ =	sdelay $0x7  }
0x135: {  	s15 =	sadd.s32 $0x1, s15  }
0x136: {  	s16 =	sadd.s32 $0x10, s16;
	p0 =	sne.s32 s15, s8;
	v0 =	vpop (erf)  }
.Ltmp1:
0x137: {  	[tilespmem:s16+$0x0] =	vst v0;
	(pc) =	sbr.rel @p0 .LBB2_1-.Ltmp1, $4  }
0x138: {  	[hbm4b:s7+s1] =	stream.linear.scatter [tilespmem:s14], [sflag:$0x2], $0x200, $0x38;
	[tilespmem:$0x8600] =	vst v63  }
0x139: {  	_ =	swait.ge [sflag:s9], $0x200  }
0x13a: {  	[sflag:s9] =	ssyncset.done $0x0  }
0x13b: {  	[sflag:s9] =	ssyncadd.s32 $0xFFFFFE00  }
0x13c: {  	_ =	sfence.sel $0x180000  }
0x13d: {  	[bflag:$0x0] =	sbarrier.arrive $0xFFFF  }
0x13e: {  	p0 =	sne.s32 s2, $0x0;
	_ =	strace $0x90000047  }
0x13f: {  	s0 =	sadd.s32 @!p0 $0x100000, s0;
	[bflag:$0x2] =	sbarrier.arrive $0xFFFF  }
0x140: {  	[sflag:s0] =	ssyncadd.tile.s32 @!p0 $0x1;
	_ =	shalt  }
.Lfunc_end2:
_tile_overlayer_lowered:
.L_overlay_start_2:
0x141: {  	(tag) =	ssettag $0x2  }
0x142: {  	s0 =	rddreg [dreg:$0x0];
	s2 =	stileid.u32  }
0x143: {  	s1 =	rddreg [dreg:$0x1];
	p0 =	sne.s32 s2, $0x0  }
0x144: {  	s3 =	rddreg [dreg:$0x2];
	[bflag:$0x3] =	sbarrier.arrive $0xFFFF;
	s2 =	simm.s32 @!p0 $0x1C02  }
0x145: {  	[timem:s3], [sflag:s2] =	dma.local @!p0 [hbm:s0], s1  }
0x146: {  	s0 =	simm.s32 @!p0 $0x2  }
0x147: {  	_ =	swait.ge @!p0 [sflag:s0], s1  }
0x148: {  	s1 =	ssub.s32 @!p0 $0x0, s1;
	[sflag:s0] =	ssyncset.done @!p0 $0x0  }
0x149: {  	[sflag:s0] =	ssyncadd.s32 @!p0 s1  }
0x14a: {  	[bflag:$0x3] =	sbarrier.arrive $0xFFFF  }
0x14b: {  	_ =	shalt  }

</sc_bundles>
